<compile_context>
chip_gen: v7x
topology: tpu7x:2x2x1
jax: 0.10.2.dev20260603
libtpu: 0.0.44.dev20260713+nightly
codegen_flags: <defaults>
</compile_context>

<pallas_src>
import functools

import jax
import jax.numpy as jnp
from jax import lax
from jax.experimental import pallas as pl
from jax.experimental.pallas import tpu as pltpu
from jax.experimental.pallas import tpu_sc as plsc

_LANES = 16


@functools.partial(jax.jit, static_argnums=(2, 3, 4))
def _sc_gather(tab_f, igbp, B, NCODES, D):
    info = plsc.get_sparse_core_info()
    NC, NS = info.num_cores, info.num_subcores
    NW = NC * NS
    bw = B // NW
    n_chunks = bw // _LANES

    mesh = plsc.VectorSubcoreMesh(core_axis_name="c", subcore_axis_name="s")

    @functools.partial(
        pl.kernel,
        mesh=mesh,
        compiler_params=pltpu.CompilerParams(
            use_tc_tiling_on_sc=False, needs_layout_passes=False),
        out_type=jax.ShapeDtypeStruct((D, 1, B), jnp.float32),
        scratch_types=[
            pltpu.VMEM(((NCODES + 1) * D + _LANES,), jnp.float32),
            pltpu.VMEM((bw,), jnp.int32),
            pltpu.VMEM((D, 1, bw), jnp.float32),
        ],
    )
    def body(tab_h, igbp_h, emb_out, tab_v, ig_v, ecols):
        wid = lax.axis_index("s") * NC + lax.axis_index("c")
        base = wid * bw

        pltpu.sync_copy(tab_h, tab_v.at[pl.ds(0, NCODES * D)])
        pltpu.sync_copy(igbp_h.at[pl.ds(base, bw)], ig_v)

        lanes = lax.iota(jnp.int32, _LANES)

        zeros = jnp.zeros((_LANES,), jnp.float32)
        for z in range((D + _LANES - 1) // _LANES):
            plsc.store_scatter(
                tab_v, [NCODES * D + z * _LANES + lanes], zeros)

        @plsc.parallel_loop(0, n_chunks, unroll=1)
        def _(i):
            off = i * _LANES
            ig = ig_v[pl.ds(off, _LANES)]
            valid = (ig >= 0) & (ig < NCODES)
            addr = jnp.where(valid, ig, NCODES) * D
            for d in range(D):
                col = plsc.load_gather(tab_v, [addr + d])
                ecols[d, 0, pl.ds(off, _LANES)] = col

        pltpu.sync_copy(ecols, emb_out.at[:, :, pl.ds(base, bw)])

    return body(tab_f, igbp)


@functools.partial(jax.jit, static_argnums=(1, 2, 3, 4))
def _tc_mask(igbp2, B, NCODES, L, R):
    def body(ig_ref, out_ref):
        for r in range(R):
            ig = ig_ref[pl.ds(r, 1), :]
            nv = ((ig < 0) | (ig >= NCODES)).astype(jnp.uint8)
            out_ref[:, pl.ds(r * (B // R), B // R)] = jnp.broadcast_to(
                nv, (L, B // R))

    return pl.pallas_call(
        body,
        out_shape=jax.ShapeDtypeStruct((L, B), jnp.uint8),
    )(igbp2)


def kernel(igbp, predictor_values, emb_table):
    B = igbp.shape[0]
    L = predictor_values.shape[1]
    num_codes, D = emb_table.shape
    R = 8
    emb_t = _sc_gather(emb_table.reshape(-1), igbp, B, num_codes, D)
    mask_t = _tc_mask(igbp.reshape(R, B // R), B, num_codes, L, R)
    emb = emb_t.transpose(2, 1, 0)
    mask = mask_t.T[:, :, None].view(jnp.bool_)
    return emb, mask

# --- scband reference (transcript-rebuilt; emitter-appended) ---
"""Pipeline reference for scband-igbpinput-module-82867099009046 (READ-ONLY COPY).

The authoritative reference and input builder live on the scoring server;
editing this copy changes nothing except your own understanding.
"""

import jax, jax.numpy as jnp
import numpy as np

B = 16384
L = 64
P = 22
NUM_CODES = 17
EMB_DIM = 2 * 12 + 22  # 46


def setup_inputs(seed: int = 0) -> dict:
    key = jax.random.key(seed)
    k1, k2, k3 = jax.random.split(key, 3)
    igbp = jax.random.randint(k1, (B,), 0, NUM_CODES, dtype=jnp.int32)
    predictor_values = jax.random.normal(k2, (B, L, P), dtype=jnp.float32)
    # learned parameter: nn.Embedding(len(IGBP_CODES), embedding_length).weight
    emb_table = jax.random.normal(k3, (NUM_CODES, EMB_DIM), dtype=jnp.float32) * 0.02
    return {"igbp": igbp, "predictor_values": predictor_values, "emb_table": emb_table}


def reference(igbp, predictor_values, emb_table):
    # Faithful translation of IGBPInputModule.forward:
    #  - embeddings[i, :, :] = embedding_map[code] when code is an allowable IGBP code
    #  - mask[i, :, :] = True when code is NOT allowable (else False)
    # Codes are represented as integer indices; an index in [0, NUM_CODES) is allowable.
    Bq, Lq, _ = predictor_values.shape
    num_codes = emb_table.shape[0]
    valid = (igbp >= 0) & (igbp < num_codes)  # [B]
    safe_idx = jnp.clip(igbp, 0, num_codes - 1)
    gathered = jnp.take(emb_table, safe_idx, axis=0)  # [B, EMB_DIM]
    # rows with invalid codes keep the torch.zeros initialization
    emb = jnp.where(valid[:, None], gathered, jnp.zeros_like(gathered))
    embeddings = emb[:, None, :]  # [B, 1, EMB_DIM]
    mask = jnp.broadcast_to((~valid)[:, None, None], (Bq, Lq, 1))  # [B, L, 1] bool
    return (embeddings, mask)

if __name__ == "__main__":
    import jax
    _d = setup_inputs()
    print(jax.jit(kernel)(*tuple(_d.values())))

</pallas_src>

<mosaic_0001>
#map = affine_map<(d0, d1) -> (0)>
#map1 = affine_map<(d0, d1) -> (0, 0, 0)>
module attributes {stable_mosaic.version = 14 : i64} {
  func.func @body(%arg0: i32, %arg1: i32, %arg2: memref<782xf32, #tpu.memory_space<hbm>>, %arg3: memref<16384xi32, #tpu.memory_space<hbm>>, %arg4: memref<46x1x16384xf32, #tpu.memory_space<hbm>>, %arg5: memref<844xf32, #tpu.memory_space<vmem>>, %arg6: memref<512xi32, #tpu.memory_space<vmem>>, %arg7: memref<46x1x512xf32, #tpu.memory_space<vmem>>) attributes {dimension_semantics = [#tpu.dimension_semantics<core_parallel>, #tpu.dimension_semantics<subcore_parallel>], iteration_bounds = array<i64: 2, 16>, scalar_prefetch = 0 : i64, scratch_operands = 3 : i64, tpu.core_type = #tpu.core_type<sc_vector_subcore>, window_params = [{transform_indices = #map}, {transform_indices = #map}, {transform_indices = #map1}]} {
    %mul3A = arith.constant 2 : i32
    %mul3A_0 = arith.muli %arg1, %mul3A : i32
    %add3A = arith.addi %mul3A_0, %arg0 : i32
    %mul3A_1 = arith.constant 512 : i32
    %mul3A_2 = arith.muli %add3A, %mul3A_1 : i32
    "tpu.region"() ({
      %run_scoped3A = tpu.sem_alloc : memref<!tpu.dma_semaphore, #tpu.memory_space<semaphore_mem>>
      %dma_start3A = arith.constant 0 : i32
      %dma_start3A_15 = tpu.memref_slice %arg5[%dma_start3A] : memref<844xf32, #tpu.memory_space<vmem>> -> memref<782xf32, #tpu.memory_space<vmem>>
      %dma_start3A_16 = arith.constant 0 : i32
      %dma_start3A_17 = tpu.memref_slice %arg5[%dma_start3A_16] : memref<844xf32, #tpu.memory_space<vmem>> -> memref<782xf32, #tpu.memory_space<vmem>>
      tpu.enqueue_dma source(%arg2 : memref<782xf32, #tpu.memory_space<hbm>>) target(%dma_start3A_17 : memref<782xf32, #tpu.memory_space<vmem>>) target_semaphore(%run_scoped3A : memref<!tpu.dma_semaphore, #tpu.memory_space<semaphore_mem>>)
      %dma_wait3A = arith.constant 0 : i32
      %dma_wait3A_18 = tpu.memref_slice %arg5[%dma_wait3A] : memref<844xf32, #tpu.memory_space<vmem>> -> memref<782xf32, #tpu.memory_space<vmem>>
      %dma_wait3A_19 = arith.constant 0 : i32
      %dma_wait3A_20 = tpu.memref_slice %arg5[%dma_wait3A_19] : memref<844xf32, #tpu.memory_space<vmem>> -> memref<782xf32, #tpu.memory_space<vmem>>
      tpu.wait_dma2 semaphore(%run_scoped3A : memref<!tpu.dma_semaphore, #tpu.memory_space<semaphore_mem>>) src(%arg2 : memref<782xf32, #tpu.memory_space<hbm>>) dst(%dma_wait3A_20 : memref<782xf32, #tpu.memory_space<vmem>>)
      tpu.yield
    }) : () -> ()
    "tpu.region"() ({
      %run_scoped3A = tpu.sem_alloc : memref<!tpu.dma_semaphore, #tpu.memory_space<semaphore_mem>>
      %dma_start3A = tpu.memref_slice %arg3[%mul3A_2] : memref<16384xi32, #tpu.memory_space<hbm>> -> memref<512xi32, #tpu.memory_space<hbm>>
      %dma_start3A_15 = tpu.memref_slice %arg3[%mul3A_2] : memref<16384xi32, #tpu.memory_space<hbm>> -> memref<512xi32, #tpu.memory_space<hbm>>
      tpu.enqueue_dma source(%dma_start3A_15 : memref<512xi32, #tpu.memory_space<hbm>>) target(%arg6 : memref<512xi32, #tpu.memory_space<vmem>>) target_semaphore(%run_scoped3A : memref<!tpu.dma_semaphore, #tpu.memory_space<semaphore_mem>>)
      %dma_wait3A = tpu.memref_slice %arg3[%mul3A_2] : memref<16384xi32, #tpu.memory_space<hbm>> -> memref<512xi32, #tpu.memory_space<hbm>>
      %dma_wait3A_16 = tpu.memref_slice %arg3[%mul3A_2] : memref<16384xi32, #tpu.memory_space<hbm>> -> memref<512xi32, #tpu.memory_space<hbm>>
      tpu.wait_dma2 semaphore(%run_scoped3A : memref<!tpu.dma_semaphore, #tpu.memory_space<semaphore_mem>>) src(%dma_wait3A_16 : memref<512xi32, #tpu.memory_space<hbm>>) dst(%arg6 : memref<512xi32, #tpu.memory_space<vmem>>)
      tpu.yield
    }) : () -> ()
    %iota3A = tpu.iota {dimensions = array<i32: 0>} : vector<16xi32>
    %broadcast_in_dim3A = arith.constant 0.000000e+00 : f32
    %broadcast_in_dim3A_3 = vector.broadcast %broadcast_in_dim3A : f32 to vector<16xf32>
    %add3A_4 = arith.constant 782 : i32
    %add3A_5 = vector.broadcast %add3A_4 : i32 to vector<16xi32>
    %add3A_6 = arith.addi %add3A_5, %iota3A : vector<16xi32>
    tpu.vector_store_idx %arg5[%add3A_6], %broadcast_in_dim3A_3 : memref<844xf32, #tpu.memory_space<vmem>>[vector<16xi32>], vector<16xf32>,
    %add3A_7 = arith.constant 798 : i32
    %add3A_8 = vector.broadcast %add3A_7 : i32 to vector<16xi32>
    %add3A_9 = arith.addi %add3A_8, %iota3A : vector<16xi32>
    tpu.vector_store_idx %arg5[%add3A_9], %broadcast_in_dim3A_3 : memref<844xf32, #tpu.memory_space<vmem>>[vector<16xi32>], vector<16xf32>,
    %add3A_10 = arith.constant 814 : i32
    %add3A_11 = vector.broadcast %add3A_10 : i32 to vector<16xi32>
    %add3A_12 = arith.addi %add3A_11, %iota3A : vector<16xi32>
    tpu.vector_store_idx %arg5[%add3A_12], %broadcast_in_dim3A_3 : memref<844xf32, #tpu.memory_space<vmem>>[vector<16xi32>], vector<16xf32>,
    %parallel_loop3A = arith.constant 0 : i32
    %parallel_loop3A_13 = arith.constant 32 : i32
    %parallel_loop3A_14 = arith.constant 1 : i32
    scf.for %parallel_loop3A_15 = %parallel_loop3A to %parallel_loop3A_13 step %parallel_loop3A_14  : i32 {
      %parallel_loop3A_16 = arith.constant 16 : i32
      %parallel_loop3A_17 = arith.muli %parallel_loop3A_15, %parallel_loop3A_16 : i32
      %parallel_loop3A_18 = arith.index_cast %parallel_loop3A_17 : i32 to index
      %parallel_loop3A_19 = tpu.vector_load %arg6[%parallel_loop3A_18] {strides = array<i32>} : memref<512xi32, #tpu.memory_space<vmem>>, vector<16xi32>,
      %parallel_loop3A_20 = arith.constant 0 : i32
      %parallel_loop3A_21 = vector.broadcast %parallel_loop3A_20 : i32 to vector<16xi32>
      %parallel_loop3A_22 = arith.cmpi sge, %parallel_loop3A_19, %parallel_loop3A_21 : vector<16xi32>
      %parallel_loop3A_23 = arith.constant 17 : i32
      %parallel_loop3A_24 = vector.broadcast %parallel_loop3A_23 : i32 to vector<16xi32>
      %parallel_loop3A_25 = arith.cmpi slt, %parallel_loop3A_19, %parallel_loop3A_24 : vector<16xi32>
      %parallel_loop3A_26 = arith.andi %parallel_loop3A_22, %parallel_loop3A_25 : vector<16xi1>
      %parallel_loop3A_27 = arith.constant 17 : i32
      %parallel_loop3A_28 = vector.broadcast %parallel_loop3A_27 : i32 to vector<16xi32>
      %parallel_loop3A_29 = arith.select %parallel_loop3A_26, %parallel_loop3A_19, %parallel_loop3A_28 : vector<16xi1>, vector<16xi32>
      %parallel_loop3A_30 = arith.constant 46 : i32
      %parallel_loop3A_31 = vector.broadcast %parallel_loop3A_30 : i32 to vector<16xi32>
      %parallel_loop3A_32 = arith.muli %parallel_loop3A_29, %parallel_loop3A_31 : vector<16xi32>
      %parallel_loop3A_33 = arith.constant 0 : i32
      %parallel_loop3A_34 = vector.broadcast %parallel_loop3A_33 : i32 to vector<16xi32>
      %parallel_loop3A_35 = arith.addi %parallel_loop3A_32, %parallel_loop3A_34 : vector<16xi32>
      %parallel_loop3A_36 = tpu.vector_load_idx %arg5[%parallel_loop3A_35] : memref<844xf32, #tpu.memory_space<vmem>>[vector<16xi32>], vector<16xf32>,
      %parallel_loop3A_37 = arith.constant 0 : i32
      %parallel_loop3A_38 = arith.constant 0 : i32
      %parallel_loop3A_39 = arith.index_cast %parallel_loop3A_37 : i32 to index
      %parallel_loop3A_40 = arith.index_cast %parallel_loop3A_38 : i32 to index
      %parallel_loop3A_41 = arith.index_cast %parallel_loop3A_17 : i32 to index
      %parallel_loop3A_42 = tpu.vector_load %arg7[%parallel_loop3A_39, %parallel_loop3A_40, %parallel_loop3A_41] {strides = array<i32>} : memref<46x1x512xf32, #tpu.memory_space<vmem>>, vector<16xf32>,
      tpu.vector_store %arg7[%parallel_loop3A_39, %parallel_loop3A_40, %parallel_loop3A_41], %parallel_loop3A_36 {strides = array<i32>} : memref<46x1x512xf32, #tpu.memory_space<vmem>>, vector<16xf32>,
      %parallel_loop3A_43 = arith.constant 1 : i32
      %parallel_loop3A_44 = vector.broadcast %parallel_loop3A_43 : i32 to vector<16xi32>
      %parallel_loop3A_45 = arith.addi %parallel_loop3A_32, %parallel_loop3A_44 : vector<16xi32>
      %parallel_loop3A_46 = tpu.vector_load_idx %arg5[%parallel_loop3A_45] : memref<844xf32, #tpu.memory_space<vmem>>[vector<16xi32>], vector<16xf32>,
      %parallel_loop3A_47 = arith.constant 1 : i32
      %parallel_loop3A_48 = arith.constant 0 : i32
      %parallel_loop3A_49 = arith.index_cast %parallel_loop3A_47 : i32 to index
      %parallel_loop3A_50 = arith.index_cast %parallel_loop3A_48 : i32 to index
      %parallel_loop3A_51 = arith.index_cast %parallel_loop3A_17 : i32 to index
      %parallel_loop3A_52 = tpu.vector_load %arg7[%parallel_loop3A_49, %parallel_loop3A_50, %parallel_loop3A_51] {strides = array<i32>} : memref<46x1x512xf32, #tpu.memory_space<vmem>>, vector<16xf32>,
      tpu.vector_store %arg7[%parallel_loop3A_49, %parallel_loop3A_50, %parallel_loop3A_51], %parallel_loop3A_46 {strides = array<i32>} : memref<46x1x512xf32, #tpu.memory_space<vmem>>, vector<16xf32>,
      %parallel_loop3A_53 = arith.constant 2 : i32
      %parallel_loop3A_54 = vector.broadcast %parallel_loop3A_53 : i32 to vector<16xi32>
      %parallel_loop3A_55 = arith.addi %parallel_loop3A_32, %parallel_loop3A_54 : vector<16xi32>
      %parallel_loop3A_56 = tpu.vector_load_idx %arg5[%parallel_loop3A_55] : memref<844xf32, #tpu.memory_space<vmem>>[vector<16xi32>], vector<16xf32>,
      %parallel_loop3A_57 = arith.constant 2 : i32
      %parallel_loop3A_58 = arith.constant 0 : i32
      %parallel_loop3A_59 = arith.index_cast %parallel_loop3A_57 : i32 to index
      %parallel_loop3A_60 = arith.index_cast %parallel_loop3A_58 : i32 to index
      %parallel_loop3A_61 = arith.index_cast %parallel_loop3A_17 : i32 to index
      %parallel_loop3A_62 = tpu.vector_load %arg7[%parallel_loop3A_59, %parallel_loop3A_60, %parallel_loop3A_61] {strides = array<i32>} : memref<46x1x512xf32, #tpu.memory_space<vmem>>, vector<16xf32>,
      tpu.vector_store %arg7[%parallel_loop3A_59, %parallel_loop3A_60, %parallel_loop3A_61], %parallel_loop3A_56 {strides = array<i32>} : memref<46x1x512xf32, #tpu.memory_space<vmem>>, vector<16xf32>,
      %parallel_loop3A_63 = arith.constant 3 : i32
      %parallel_loop3A_64 = vector.broadcast %parallel_loop3A_63 : i32 to vector<16xi32>
      %parallel_loop3A_65 = arith.addi %parallel_loop3A_32, %parallel_loop3A_64 : vector<16xi32>
      %parallel_loop3A_66 = tpu.vector_load_idx %arg5[%parallel_loop3A_65] : memref<844xf32, #tpu.memory_space<vmem>>[vector<16xi32>], vector<16xf32>,
      %parallel_loop3A_67 = arith.constant 3 : i32
      %parallel_loop3A_68 = arith.constant 0 : i32
      %parallel_loop3A_69 = arith.index_cast %parallel_loop3A_67 : i32 to index
      %parallel_loop3A_70 = arith.index_cast %parallel_loop3A_68 : i32 to index
      %parallel_loop3A_71 = arith.index_cast %parallel_loop3A_17 : i32 to index
      %parallel_loop3A_72 = tpu.vector_load %arg7[%parallel_loop3A_69, %parallel_loop3A_70, %parallel_loop3A_71] {strides = array<i32>} : memref<46x1x512xf32, #tpu.memory_space<vmem>>, vector<16xf32>,
      tpu.vector_store %arg7[%parallel_loop3A_69, %parallel_loop3A_70, %parallel_loop3A_71], %parallel_loop3A_66 {strides = array<i32>} : memref<46x1x512xf32, #tpu.memory_space<vmem>>, vector<16xf32>,
      %parallel_loop3A_73 = arith.constant 4 : i32
      %parallel_loop3A_74 = vector.broadcast %parallel_loop3A_73 : i32 to vector<16xi32>
      %parallel_loop3A_75 = arith.addi %parallel_loop3A_32, %parallel_loop3A_74 : vector<16xi32>
      %parallel_loop3A_76 = tpu.vector_load_idx %arg5[%parallel_loop3A_75] : memref<844xf32, #tpu.memory_space<vmem>>[vector<16xi32>], vector<16xf32>,
      %parallel_loop3A_77 = arith.constant 4 : i32
      %parallel_loop3A_78 = arith.constant 0 : i32
      %parallel_loop3A_79 = arith.index_cast %parallel_loop3A_77 : i32 to index
      %parallel_loop3A_80 = arith.index_cast %parallel_loop3A_78 : i32 to index
      %parallel_loop3A_81 = arith.index_cast %parallel_loop3A_17 : i32 to index
      %parallel_loop3A_82 = tpu.vector_load %arg7[%parallel_loop3A_79, %parallel_loop3A_80, %parallel_loop3A_81] {strides = array<i32>} : memref<46x1x512xf32, #tpu.memory_space<vmem>>, vector<16xf32>,
      tpu.vector_store %arg7[%parallel_loop3A_79, %parallel_loop3A_80, %parallel_loop3A_81], %parallel_loop3A_76 {strides = array<i32>} : memref<46x1x512xf32, #tpu.memory_space<vmem>>, vector<16xf32>,
      %parallel_loop3A_83 = arith.constant 5 : i32
      %parallel_loop3A_84 = vector.broadcast %parallel_loop3A_83 : i32 to vector<16xi32>
      %parallel_loop3A_85 = arith.addi %parallel_loop3A_32, %parallel_loop3A_84 : vector<16xi32>
      %parallel_loop3A_86 = tpu.vector_load_idx %arg5[%parallel_loop3A_85] : memref<844xf32, #tpu.memory_space<vmem>>[vector<16xi32>], vector<16xf32>,
      %parallel_loop3A_87 = arith.constant 5 : i32
      %parallel_loop3A_88 = arith.constant 0 : i32
      %parallel_loop3A_89 = arith.index_cast %parallel_loop3A_87 : i32 to index
      %parallel_loop3A_90 = arith.index_cast %parallel_loop3A_88 : i32 to index
      %parallel_loop3A_91 = arith.index_cast %parallel_loop3A_17 : i32 to index
      %parallel_loop3A_92 = tpu.vector_load %arg7[%parallel_loop3A_89, %parallel_loop3A_90, %parallel_loop3A_91] {strides = array<i32>} : memref<46x1x512xf32, #tpu.memory_space<vmem>>, vector<16xf32>,
      tpu.vector_store %arg7[%parallel_loop3A_89, %parallel_loop3A_90, %parallel_loop3A_91], %parallel_loop3A_86 {strides = array<i32>} : memref<46x1x512xf32, #tpu.memory_space<vmem>>, vector<16xf32>,
      %parallel_loop3A_93 = arith.constant 6 : i32
      %parallel_loop3A_94 = vector.broadcast %parallel_loop3A_93 : i32 to vector<16xi32>
      %parallel_loop3A_95 = arith.addi %parallel_loop3A_32, %parallel_loop3A_94 : vector<16xi32>
      %parallel_loop3A_96 = tpu.vector_load_idx %arg5[%parallel_loop3A_95] : memref<844xf32, #tpu.memory_space<vmem>>[vector<16xi32>], vector<16xf32>,
      %parallel_loop3A_97 = arith.constant 6 : i32
      %parallel_loop3A_98 = arith.constant 0 : i32
      %parallel_loop3A_99 = arith.index_cast %parallel_loop3A_97 : i32 to index
      %parallel_loop3A_100 = arith.index_cast %parallel_loop3A_98 : i32 to index
      %parallel_loop3A_101 = arith.index_cast %parallel_loop3A_17 : i32 to index
      %parallel_loop3A_102 = tpu.vector_load %arg7[%parallel_loop3A_99, %parallel_loop3A_100, %parallel_loop3A_101] {strides = array<i32>} : memref<46x1x512xf32, #tpu.memory_space<vmem>>, vector<16xf32>,
      tpu.vector_store %arg7[%parallel_loop3A_99, %parallel_loop3A_100, %parallel_loop3A_101], %parallel_loop3A_96 {strides = array<i32>} : memref<46x1x512xf32, #tpu.memory_space<vmem>>, vector<16xf32>,
      %parallel_loop3A_103 = arith.constant 7 : i32
      %parallel_loop3A_104 = vector.broadcast %parallel_loop3A_103 : i32 to vector<16xi32>
      %parallel_loop3A_105 = arith.addi %parallel_loop3A_32, %parallel_loop3A_104 : vector<16xi32>
      %parallel_loop3A_106 = tpu.vector_load_idx %arg5[%parallel_loop3A_105] : memref<844xf32, #tpu.memory_space<vmem>>[vector<16xi32>], vector<16xf32>,
      %parallel_loop3A_107 = arith.constant 7 : i32
      %parallel_loop3A_108 = arith.constant 0 : i32
      %parallel_loop3A_109 = arith.index_cast %parallel_loop3A_107 : i32 to index
      %parallel_loop3A_110 = arith.index_cast %parallel_loop3A_108 : i32 to index
      %parallel_loop3A_111 = arith.index_cast %parallel_loop3A_17 : i32 to index
      %parallel_loop3A_112 = tpu.vector_load %arg7[%parallel_loop3A_109, %parallel_loop3A_110, %parallel_loop3A_111] {strides = array<i32>} : memref<46x1x512xf32, #tpu.memory_space<vmem>>, vector<16xf32>,
      tpu.vector_store %arg7[%parallel_loop3A_109, %parallel_loop3A_110, %parallel_loop3A_111], %parallel_loop3A_106 {strides = array<i32>} : memref<46x1x512xf32, #tpu.memory_space<vmem>>, vector<16xf32>,
      %parallel_loop3A_113 = arith.constant 8 : i32
      %parallel_loop3A_114 = vector.broadcast %parallel_loop3A_113 : i32 to vector<16xi32>
      %parallel_loop3A_115 = arith.addi %parallel_loop3A_32, %parallel_loop3A_114 : vector<16xi32>
      %parallel_loop3A_116 = tpu.vector_load_idx %arg5[%parallel_loop3A_115] : memref<844xf32, #tpu.memory_space<vmem>>[vector<16xi32>], vector<16xf32>,
      %parallel_loop3A_117 = arith.constant 8 : i32
      %parallel_loop3A_118 = arith.constant 0 : i32
      %parallel_loop3A_119 = arith.index_cast %parallel_loop3A_117 : i32 to index
      %parallel_loop3A_120 = arith.index_cast %parallel_loop3A_118 : i32 to index
      %parallel_loop3A_121 = arith.index_cast %parallel_loop3A_17 : i32 to index
      %parallel_loop3A_122 = tpu.vector_load %arg7[%parallel_loop3A_119, %parallel_loop3A_120, %parallel_loop3A_121] {strides = array<i32>} : memref<46x1x512xf32, #tpu.memory_space<vmem>>, vector<16xf32>,
      tpu.vector_store %arg7[%parallel_loop3A_119, %parallel_loop3A_120, %parallel_loop3A_121], %parallel_loop3A_116 {strides = array<i32>} : memref<46x1x512xf32, #tpu.memory_space<vmem>>, vector<16xf32>,
      %parallel_loop3A_123 = arith.constant 9 : i32
      %parallel_loop3A_124 = vector.broadcast %parallel_loop3A_123 : i32 to vector<16xi32>
      %parallel_loop3A_125 = arith.addi %parallel_loop3A_32, %parallel_loop3A_124 : vector<16xi32>
      %parallel_loop3A_126 = tpu.vector_load_idx %arg5[%parallel_loop3A_125] : memref<844xf32, #tpu.memory_space<vmem>>[vector<16xi32>], vector<16xf32>,
      %parallel_loop3A_127 = arith.constant 9 : i32
      %parallel_loop3A_128 = arith.constant 0 : i32
      %parallel_loop3A_129 = arith.index_cast %parallel_loop3A_127 : i32 to index
      %parallel_loop3A_130 = arith.index_cast %parallel_loop3A_128 : i32 to index
      %parallel_loop3A_131 = arith.index_cast %parallel_loop3A_17 : i32 to index
      %parallel_loop3A_132 = tpu.vector_load %arg7[%parallel_loop3A_129, %parallel_loop3A_130, %parallel_loop3A_131] {strides = array<i32>} : memref<46x1x512xf32, #tpu.memory_space<vmem>>, vector<16xf32>,
      tpu.vector_store %arg7[%parallel_loop3A_129, %parallel_loop3A_130, %parallel_loop3A_131], %parallel_loop3A_126 {strides = array<i32>} : memref<46x1x512xf32, #tpu.memory_space<vmem>>, vector<16xf32>,
      %parallel_loop3A_133 = arith.constant 10 : i32
      %parallel_loop3A_134 = vector.broadcast %parallel_loop3A_133 : i32 to vector<16xi32>
      %parallel_loop3A_135 = arith.addi %parallel_loop3A_32, %parallel_loop3A_134 : vector<16xi32>
      %parallel_loop3A_136 = tpu.vector_load_idx %arg5[%parallel_loop3A_135] : memref<844xf32, #tpu.memory_space<vmem>>[vector<16xi32>], vector<16xf32>,
      %parallel_loop3A_137 = arith.constant 10 : i32
      %parallel_loop3A_138 = arith.constant 0 : i32
      %parallel_loop3A_139 = arith.index_cast %parallel_loop3A_137 : i32 to index
      %parallel_loop3A_140 = arith.index_cast %parallel_loop3A_138 : i32 to index
      %parallel_loop3A_141 = arith.index_cast %parallel_loop3A_17 : i32 to index
      %parallel_loop3A_142 = tpu.vector_load %arg7[%parallel_loop3A_139, %parallel_loop3A_140, %parallel_loop3A_141] {strides = array<i32>} : memref<46x1x512xf32, #tpu.memory_space<vmem>>, vector<16xf32>,
      tpu.vector_store %arg7[%parallel_loop3A_139, %parallel_loop3A_140, %parallel_loop3A_141], %parallel_loop3A_136 {strides = array<i32>} : memref<46x1x512xf32, #tpu.memory_space<vmem>>, vector<16xf32>,
      %parallel_loop3A_143 = arith.constant 11 : i32
      %parallel_loop3A_144 = vector.broadcast %parallel_loop3A_143 : i32 to vector<16xi32>
      %parallel_loop3A_145 = arith.addi %parallel_loop3A_32, %parallel_loop3A_144 : vector<16xi32>
      %parallel_loop3A_146 = tpu.vector_load_idx %arg5[%parallel_loop3A_145] : memref<844xf32, #tpu.memory_space<vmem>>[vector<16xi32>], vector<16xf32>,
      %parallel_loop3A_147 = arith.constant 11 : i32
      %parallel_loop3A_148 = arith.constant 0 : i32
      %parallel_loop3A_149 = arith.index_cast %parallel_loop3A_147 : i32 to index
      %parallel_loop3A_150 = arith.index_cast %parallel_loop3A_148 : i32 to index
      %parallel_loop3A_151 = arith.index_cast %parallel_loop3A_17 : i32 to index
      %parallel_loop3A_152 = tpu.vector_load %arg7[%parallel_loop3A_149, %parallel_loop3A_150, %parallel_loop3A_151] {strides = array<i32>} : memref<46x1x512xf32, #tpu.memory_space<vmem>>, vector<16xf32>,
      tpu.vector_store %arg7[%parallel_loop3A_149, %parallel_loop3A_150, %parallel_loop3A_151], %parallel_loop3A_146 {strides = array<i32>} : memref<46x1x512xf32, #tpu.memory_space<vmem>>, vector<16xf32>,
      %parallel_loop3A_153 = arith.constant 12 : i32
      %parallel_loop3A_154 = vector.broadcast %parallel_loop3A_153 : i32 to vector<16xi32>
      %parallel_loop3A_155 = arith.addi %parallel_loop3A_32, %parallel_loop3A_154 : vector<16xi32>
      %parallel_loop3A_156 = tpu.vector_load_idx %arg5[%parallel_loop3A_155] : memref<844xf32, #tpu.memory_space<vmem>>[vector<16xi32>], vector<16xf32>,
      %parallel_loop3A_157 = arith.constant 12 : i32
      %parallel_loop3A_158 = arith.constant 0 : i32
      %parallel_loop3A_159 = arith.index_cast %parallel_loop3A_157 : i32 to index
      %parallel_loop3A_160 = arith.index_cast %parallel_loop3A_158 : i32 to index
      %parallel_loop3A_161 = arith.index_cast %parallel_loop3A_17 : i32 to index
      %parallel_loop3A_162 = tpu.vector_load %arg7[%parallel_loop3A_159, %parallel_loop3A_160, %parallel_loop3A_161] {strides = array<i32>} : memref<46x1x512xf32, #tpu.memory_space<vmem>>, vector<16xf32>,
      tpu.vector_store %arg7[%parallel_loop3A_159, %parallel_loop3A_160, %parallel_loop3A_161], %parallel_loop3A_156 {strides = array<i32>} : memref<46x1x512xf32, #tpu.memory_space<vmem>>, vector<16xf32>,
      %parallel_loop3A_163 = arith.constant 13 : i32
      %parallel_loop3A_164 = vector.broadcast %parallel_loop3A_163 : i32 to vector<16xi32>
      %parallel_loop3A_165 = arith.addi %parallel_loop3A_32, %parallel_loop3A_164 : vector<16xi32>
      %parallel_loop3A_166 = tpu.vector_load_idx %arg5[%parallel_loop3A_165] : memref<844xf32, #tpu.memory_space<vmem>>[vector<16xi32>], vector<16xf32>,
      %parallel_loop3A_167 = arith.constant 13 : i32
      %parallel_loop3A_168 = arith.constant 0 : i32
      %parallel_loop3A_169 = arith.index_cast %parallel_loop3A_167 : i32 to index
      %parallel_loop3A_170 = arith.index_cast %parallel_loop3A_168 : i32 to index
      %parallel_loop3A_171 = arith.index_cast %parallel_loop3A_17 : i32 to index
      %parallel_loop3A_172 = tpu.vector_load %arg7[%parallel_loop3A_169, %parallel_loop3A_170, %parallel_loop3A_171] {strides = array<i32>} : memref<46x1x512xf32, #tpu.memory_space<vmem>>, vector<16xf32>,
      tpu.vector_store %arg7[%parallel_loop3A_169, %parallel_loop3A_170, %parallel_loop3A_171], %parallel_loop3A_166 {strides = array<i32>} : memref<46x1x512xf32, #tpu.memory_space<vmem>>, vector<16xf32>,
      %parallel_loop3A_173 = arith.constant 14 : i32
      %parallel_loop3A_174 = vector.broadcast %parallel_loop3A_173 : i32 to vector<16xi32>
      %parallel_loop3A_175 = arith.addi %parallel_loop3A_32, %parallel_loop3A_174 : vector<16xi32>
      %parallel_loop3A_176 = tpu.vector_load_idx %arg5[%parallel_loop3A_175] : memref<844xf32, #tpu.memory_space<vmem>>[vector<16xi32>], vector<16xf32>,
      %parallel_loop3A_177 = arith.constant 14 : i32
      %parallel_loop3A_178 = arith.constant 0 : i32
      %parallel_loop3A_179 = arith.index_cast %parallel_loop3A_177 : i32 to index
      %parallel_loop3A_180 = arith.index_cast %parallel_loop3A_178 : i32 to index
      %parallel_loop3A_181 = arith.index_cast %parallel_loop3A_17 : i32 to index
      %parallel_loop3A_182 = tpu.vector_load %arg7[%parallel_loop3A_179, %parallel_loop3A_180, %parallel_loop3A_181] {strides = array<i32>} : memref<46x1x512xf32, #tpu.memory_space<vmem>>, vector<16xf32>,
      tpu.vector_store %arg7[%parallel_loop3A_179, %parallel_loop3A_180, %parallel_loop3A_181], %parallel_loop3A_176 {strides = array<i32>} : memref<46x1x512xf32, #tpu.memory_space<vmem>>, vector<16xf32>,
      %parallel_loop3A_183 = arith.constant 15 : i32
      %parallel_loop3A_184 = vector.broadcast %parallel_loop3A_183 : i32 to vector<16xi32>
      %parallel_loop3A_185 = arith.addi %parallel_loop3A_32, %parallel_loop3A_184 : vector<16xi32>
      %parallel_loop3A_186 = tpu.vector_load_idx %arg5[%parallel_loop3A_185] : memref<844xf32, #tpu.memory_space<vmem>>[vector<16xi32>], vector<16xf32>,
      %parallel_loop3A_187 = arith.constant 15 : i32
      %parallel_loop3A_188 = arith.constant 0 : i32
      %parallel_loop3A_189 = arith.index_cast %parallel_loop3A_187 : i32 to index
      %parallel_loop3A_190 = arith.index_cast %parallel_loop3A_188 : i32 to index
      %parallel_loop3A_191 = arith.index_cast %parallel_loop3A_17 : i32 to index
      %parallel_loop3A_192 = tpu.vector_load %arg7[%parallel_loop3A_189, %parallel_loop3A_190, %parallel_loop3A_191] {strides = array<i32>} : memref<46x1x512xf32, #tpu.memory_space<vmem>>, vector<16xf32>,
      tpu.vector_store %arg7[%parallel_loop3A_189, %parallel_loop3A_190, %parallel_loop3A_191], %parallel_loop3A_186 {strides = array<i32>} : memref<46x1x512xf32, #tpu.memory_space<vmem>>, vector<16xf32>,
      %parallel_loop3A_193 = arith.constant 16 : i32
      %parallel_loop3A_194 = vector.broadcast %parallel_loop3A_193 : i32 to vector<16xi32>
      %parallel_loop3A_195 = arith.addi %parallel_loop3A_32, %parallel_loop3A_194 : vector<16xi32>
      %parallel_loop3A_196 = tpu.vector_load_idx %arg5[%parallel_loop3A_195] : memref<844xf32, #tpu.memory_space<vmem>>[vector<16xi32>], vector<16xf32>,
      %parallel_loop3A_197 = arith.constant 16 : i32
      %parallel_loop3A_198 = arith.constant 0 : i32
      %parallel_loop3A_199 = arith.index_cast %parallel_loop3A_197 : i32 to index
      %parallel_loop3A_200 = arith.index_cast %parallel_loop3A_198 : i32 to index
      %parallel_loop3A_201 = arith.index_cast %parallel_loop3A_17 : i32 to index
      %parallel_loop3A_202 = tpu.vector_load %arg7[%parallel_loop3A_199, %parallel_loop3A_200, %parallel_loop3A_201] {strides = array<i32>} : memref<46x1x512xf32, #tpu.memory_space<vmem>>, vector<16xf32>,
      tpu.vector_store %arg7[%parallel_loop3A_199, %parallel_loop3A_200, %parallel_loop3A_201], %parallel_loop3A_196 {strides = array<i32>} : memref<46x1x512xf32, #tpu.memory_space<vmem>>, vector<16xf32>,
      %parallel_loop3A_203 = arith.constant 17 : i32
      %parallel_loop3A_204 = vector.broadcast %parallel_loop3A_203 : i32 to vector<16xi32>
      %parallel_loop3A_205 = arith.addi %parallel_loop3A_32, %parallel_loop3A_204 : vector<16xi32>
      %parallel_loop3A_206 = tpu.vector_load_idx %arg5[%parallel_loop3A_205] : memref<844xf32, #tpu.memory_space<vmem>>[vector<16xi32>], vector<16xf32>,
      %parallel_loop3A_207 = arith.constant 17 : i32
      %parallel_loop3A_208 = arith.constant 0 : i32
      %parallel_loop3A_209 = arith.index_cast %parallel_loop3A_207 : i32 to index
      %parallel_loop3A_210 = arith.index_cast %parallel_loop3A_208 : i32 to index
      %parallel_loop3A_211 = arith.index_cast %parallel_loop3A_17 : i32 to index
      %parallel_loop3A_212 = tpu.vector_load %arg7[%parallel_loop3A_209, %parallel_loop3A_210, %parallel_loop3A_211] {strides = array<i32>} : memref<46x1x512xf32, #tpu.memory_space<vmem>>, vector<16xf32>,
      tpu.vector_store %arg7[%parallel_loop3A_209, %parallel_loop3A_210, %parallel_loop3A_211], %parallel_loop3A_206 {strides = array<i32>} : memref<46x1x512xf32, #tpu.memory_space<vmem>>, vector<16xf32>,
      %parallel_loop3A_213 = arith.constant 18 : i32
      %parallel_loop3A_214 = vector.broadcast %parallel_loop3A_213 : i32 to vector<16xi32>
      %parallel_loop3A_215 = arith.addi %parallel_loop3A_32, %parallel_loop3A_214 : vector<16xi32>
      %parallel_loop3A_216 = tpu.vector_load_idx %arg5[%parallel_loop3A_215] : memref<844xf32, #tpu.memory_space<vmem>>[vector<16xi32>], vector<16xf32>,
      %parallel_loop3A_217 = arith.constant 18 : i32
      %parallel_loop3A_218 = arith.constant 0 : i32
      %parallel_loop3A_219 = arith.index_cast %parallel_loop3A_217 : i32 to index
      %parallel_loop3A_220 = arith.index_cast %parallel_loop3A_218 : i32 to index
      %parallel_loop3A_221 = arith.index_cast %parallel_loop3A_17 : i32 to index
      %parallel_loop3A_222 = tpu.vector_load %arg7[%parallel_loop3A_219, %parallel_loop3A_220, %parallel_loop3A_221] {strides = array<i32>} : memref<46x1x512xf32, #tpu.memory_space<vmem>>, vector<16xf32>,
      tpu.vector_store %arg7[%parallel_loop3A_219, %parallel_loop3A_220, %parallel_loop3A_221], %parallel_loop3A_216 {strides = array<i32>} : memref<46x1x512xf32, #tpu.memory_space<vmem>>, vector<16xf32>,
      %parallel_loop3A_223 = arith.constant 19 : i32
      %parallel_loop3A_224 = vector.broadcast %parallel_loop3A_223 : i32 to vector<16xi32>
      %parallel_loop3A_225 = arith.addi %parallel_loop3A_32, %parallel_loop3A_224 : vector<16xi32>
      %parallel_loop3A_226 = tpu.vector_load_idx %arg5[%parallel_loop3A_225] : memref<844xf32, #tpu.memory_space<vmem>>[vector<16xi32>], vector<16xf32>,
      %parallel_loop3A_227 = arith.constant 19 : i32
      %parallel_loop3A_228 = arith.constant 0 : i32
      %parallel_loop3A_229 = arith.index_cast %parallel_loop3A_227 : i32 to index
      %parallel_loop3A_230 = arith.index_cast %parallel_loop3A_228 : i32 to index
      %parallel_loop3A_231 = arith.index_cast %parallel_loop3A_17 : i32 to index
      %parallel_loop3A_232 = tpu.vector_load %arg7[%parallel_loop3A_229, %parallel_loop3A_230, %parallel_loop3A_231] {strides = array<i32>} : memref<46x1x512xf32, #tpu.memory_space<vmem>>, vector<16xf32>,
      tpu.vector_store %arg7[%parallel_loop3A_229, %parallel_loop3A_230, %parallel_loop3A_231], %parallel_loop3A_226 {strides = array<i32>} : memref<46x1x512xf32, #tpu.memory_space<vmem>>, vector<16xf32>,
      %parallel_loop3A_233 = arith.constant 20 : i32
      %parallel_loop3A_234 = vector.broadcast %parallel_loop3A_233 : i32 to vector<16xi32>
      %parallel_loop3A_235 = arith.addi %parallel_loop3A_32, %parallel_loop3A_234 : vector<16xi32>
      %parallel_loop3A_236 = tpu.vector_load_idx %arg5[%parallel_loop3A_235] : memref<844xf32, #tpu.memory_space<vmem>>[vector<16xi32>], vector<16xf32>,
      %parallel_loop3A_237 = arith.constant 20 : i32
      %parallel_loop3A_238 = arith.constant 0 : i32
      %parallel_loop3A_239 = arith.index_cast %parallel_loop3A_237 : i32 to index
      %parallel_loop3A_240 = arith.index_cast %parallel_loop3A_238 : i32 to index
      %parallel_loop3A_241 = arith.index_cast %parallel_loop3A_17 : i32 to index
      %parallel_loop3A_242 = tpu.vector_load %arg7[%parallel_loop3A_239, %parallel_loop3A_240, %parallel_loop3A_241] {strides = array<i32>} : memref<46x1x512xf32, #tpu.memory_space<vmem>>, vector<16xf32>,
      tpu.vector_store %arg7[%parallel_loop3A_239, %parallel_loop3A_240, %parallel_loop3A_241], %parallel_loop3A_236 {strides = array<i32>} : memref<46x1x512xf32, #tpu.memory_space<vmem>>, vector<16xf32>,
      %parallel_loop3A_243 = arith.constant 21 : i32
      %parallel_loop3A_244 = vector.broadcast %parallel_loop3A_243 : i32 to vector<16xi32>
      %parallel_loop3A_245 = arith.addi %parallel_loop3A_32, %parallel_loop3A_244 : vector<16xi32>
      %parallel_loop3A_246 = tpu.vector_load_idx %arg5[%parallel_loop3A_245] : memref<844xf32, #tpu.memory_space<vmem>>[vector<16xi32>], vector<16xf32>,
      %parallel_loop3A_247 = arith.constant 21 : i32
      %parallel_loop3A_248 = arith.constant 0 : i32
      %parallel_loop3A_249 = arith.index_cast %parallel_loop3A_247 : i32 to index
      %parallel_loop3A_250 = arith.index_cast %parallel_loop3A_248 : i32 to index
      %parallel_loop3A_251 = arith.index_cast %parallel_loop3A_17 : i32 to index
      %parallel_loop3A_252 = tpu.vector_load %arg7[%parallel_loop3A_249, %parallel_loop3A_250, %parallel_loop3A_251] {strides = array<i32>} : memref<46x1x512xf32, #tpu.memory_space<vmem>>, vector<16xf32>,
      tpu.vector_store %arg7[%parallel_loop3A_249, %parallel_loop3A_250, %parallel_loop3A_251], %parallel_loop3A_246 {strides = array<i32>} : memref<46x1x512xf32, #tpu.memory_space<vmem>>, vector<16xf32>,
      %parallel_loop3A_253 = arith.constant 22 : i32
      %parallel_loop3A_254 = vector.broadcast %parallel_loop3A_253 : i32 to vector<16xi32>
      %parallel_loop3A_255 = arith.addi %parallel_loop3A_32, %parallel_loop3A_254 : vector<16xi32>
      %parallel_loop3A_256 = tpu.vector_load_idx %arg5[%parallel_loop3A_255] : memref<844xf32, #tpu.memory_space<vmem>>[vector<16xi32>], vector<16xf32>,
      %parallel_loop3A_257 = arith.constant 22 : i32
      %parallel_loop3A_258 = arith.constant 0 : i32
      %parallel_loop3A_259 = arith.index_cast %parallel_loop3A_257 : i32 to index
      %parallel_loop3A_260 = arith.index_cast %parallel_loop3A_258 : i32 to index
      %parallel_loop3A_261 = arith.index_cast %parallel_loop3A_17 : i32 to index
      %parallel_loop3A_262 = tpu.vector_load %arg7[%parallel_loop3A_259, %parallel_loop3A_260, %parallel_loop3A_261] {strides = array<i32>} : memref<46x1x512xf32, #tpu.memory_space<vmem>>, vector<16xf32>,
      tpu.vector_store %arg7[%parallel_loop3A_259, %parallel_loop3A_260, %parallel_loop3A_261], %parallel_loop3A_256 {strides = array<i32>} : memref<46x1x512xf32, #tpu.memory_space<vmem>>, vector<16xf32>,
      %parallel_loop3A_263 = arith.constant 23 : i32
      %parallel_loop3A_264 = vector.broadcast %parallel_loop3A_263 : i32 to vector<16xi32>
      %parallel_loop3A_265 = arith.addi %parallel_loop3A_32, %parallel_loop3A_264 : vector<16xi32>
      %parallel_loop3A_266 = tpu.vector_load_idx %arg5[%parallel_loop3A_265] : memref<844xf32, #tpu.memory_space<vmem>>[vector<16xi32>], vector<16xf32>,
      %parallel_loop3A_267 = arith.constant 23 : i32
      %parallel_loop3A_268 = arith.constant 0 : i32
      %parallel_loop3A_269 = arith.index_cast %parallel_loop3A_267 : i32 to index
      %parallel_loop3A_270 = arith.index_cast %parallel_loop3A_268 : i32 to index
      %parallel_loop3A_271 = arith.index_cast %parallel_loop3A_17 : i32 to index
      %parallel_loop3A_272 = tpu.vector_load %arg7[%parallel_loop3A_269, %parallel_loop3A_270, %parallel_loop3A_271] {strides = array<i32>} : memref<46x1x512xf32, #tpu.memory_space<vmem>>, vector<16xf32>,
      tpu.vector_store %arg7[%parallel_loop3A_269, %parallel_loop3A_270, %parallel_loop3A_271], %parallel_loop3A_266 {strides = array<i32>} : memref<46x1x512xf32, #tpu.memory_space<vmem>>, vector<16xf32>,
      %parallel_loop3A_273 = arith.constant 24 : i32
      %parallel_loop3A_274 = vector.broadcast %parallel_loop3A_273 : i32 to vector<16xi32>
      %parallel_loop3A_275 = arith.addi %parallel_loop3A_32, %parallel_loop3A_274 : vector<16xi32>
      %parallel_loop3A_276 = tpu.vector_load_idx %arg5[%parallel_loop3A_275] : memref<844xf32, #tpu.memory_space<vmem>>[vector<16xi32>], vector<16xf32>,
      %parallel_loop3A_277 = arith.constant 24 : i32
      %parallel_loop3A_278 = arith.constant 0 : i32
      %parallel_loop3A_279 = arith.index_cast %parallel_loop3A_277 : i32 to index
      %parallel_loop3A_280 = arith.index_cast %parallel_loop3A_278 : i32 to index
      %parallel_loop3A_281 = arith.index_cast %parallel_loop3A_17 : i32 to index
      %parallel_loop3A_282 = tpu.vector_load %arg7[%parallel_loop3A_279, %parallel_loop3A_280, %parallel_loop3A_281] {strides = array<i32>} : memref<46x1x512xf32, #tpu.memory_space<vmem>>, vector<16xf32>,
      tpu.vector_store %arg7[%parallel_loop3A_279, %parallel_loop3A_280, %parallel_loop3A_281], %parallel_loop3A_276 {strides = array<i32>} : memref<46x1x512xf32, #tpu.memory_space<vmem>>, vector<16xf32>,
      %parallel_loop3A_283 = arith.constant 25 : i32
      %parallel_loop3A_284 = vector.broadcast %parallel_loop3A_283 : i32 to vector<16xi32>
      %parallel_loop3A_285 = arith.addi %parallel_loop3A_32, %parallel_loop3A_284 : vector<16xi32>
      %parallel_loop3A_286 = tpu.vector_load_idx %arg5[%parallel_loop3A_285] : memref<844xf32, #tpu.memory_space<vmem>>[vector<16xi32>], vector<16xf32>,
      %parallel_loop3A_287 = arith.constant 25 : i32
      %parallel_loop3A_288 = arith.constant 0 : i32
      %parallel_loop3A_289 = arith.index_cast %parallel_loop3A_287 : i32 to index
      %parallel_loop3A_290 = arith.index_cast %parallel_loop3A_288 : i32 to index
      %parallel_loop3A_291 = arith.index_cast %parallel_loop3A_17 : i32 to index
      %parallel_loop3A_292 = tpu.vector_load %arg7[%parallel_loop3A_289, %parallel_loop3A_290, %parallel_loop3A_291] {strides = array<i32>} : memref<46x1x512xf32, #tpu.memory_space<vmem>>, vector<16xf32>,
      tpu.vector_store %arg7[%parallel_loop3A_289, %parallel_loop3A_290, %parallel_loop3A_291], %parallel_loop3A_286 {strides = array<i32>} : memref<46x1x512xf32, #tpu.memory_space<vmem>>, vector<16xf32>,
      %parallel_loop3A_293 = arith.constant 26 : i32
      %parallel_loop3A_294 = vector.broadcast %parallel_loop3A_293 : i32 to vector<16xi32>
      %parallel_loop3A_295 = arith.addi %parallel_loop3A_32, %parallel_loop3A_294 : vector<16xi32>
      %parallel_loop3A_296 = tpu.vector_load_idx %arg5[%parallel_loop3A_295] : memref<844xf32, #tpu.memory_space<vmem>>[vector<16xi32>], vector<16xf32>,
      %parallel_loop3A_297 = arith.constant 26 : i32
      %parallel_loop3A_298 = arith.constant 0 : i32
      %parallel_loop3A_299 = arith.index_cast %parallel_loop3A_297 : i32 to index
      %parallel_loop3A_300 = arith.index_cast %parallel_loop3A_298 : i32 to index
      %parallel_loop3A_301 = arith.index_cast %parallel_loop3A_17 : i32 to index
      %parallel_loop3A_302 = tpu.vector_load %arg7[%parallel_loop3A_299, %parallel_loop3A_300, %parallel_loop3A_301] {strides = array<i32>} : memref<46x1x512xf32, #tpu.memory_space<vmem>>, vector<16xf32>,
      tpu.vector_store %arg7[%parallel_loop3A_299, %parallel_loop3A_300, %parallel_loop3A_301], %parallel_loop3A_296 {strides = array<i32>} : memref<46x1x512xf32, #tpu.memory_space<vmem>>, vector<16xf32>,
      %parallel_loop3A_303 = arith.constant 27 : i32
      %parallel_loop3A_304 = vector.broadcast %parallel_loop3A_303 : i32 to vector<16xi32>
      %parallel_loop3A_305 = arith.addi %parallel_loop3A_32, %parallel_loop3A_304 : vector<16xi32>
      %parallel_loop3A_306 = tpu.vector_load_idx %arg5[%parallel_loop3A_305] : memref<844xf32, #tpu.memory_space<vmem>>[vector<16xi32>], vector<16xf32>,
      %parallel_loop3A_307 = arith.constant 27 : i32
      %parallel_loop3A_308 = arith.constant 0 : i32
      %parallel_loop3A_309 = arith.index_cast %parallel_loop3A_307 : i32 to index
      %parallel_loop3A_310 = arith.index_cast %parallel_loop3A_308 : i32 to index
      %parallel_loop3A_311 = arith.index_cast %parallel_loop3A_17 : i32 to index
      %parallel_loop3A_312 = tpu.vector_load %arg7[%parallel_loop3A_309, %parallel_loop3A_310, %parallel_loop3A_311] {strides = array<i32>} : memref<46x1x512xf32, #tpu.memory_space<vmem>>, vector<16xf32>,
      tpu.vector_store %arg7[%parallel_loop3A_309, %parallel_loop3A_310, %parallel_loop3A_311], %parallel_loop3A_306 {strides = array<i32>} : memref<46x1x512xf32, #tpu.memory_space<vmem>>, vector<16xf32>,
      %parallel_loop3A_313 = arith.constant 28 : i32
      %parallel_loop3A_314 = vector.broadcast %parallel_loop3A_313 : i32 to vector<16xi32>
      %parallel_loop3A_315 = arith.addi %parallel_loop3A_32, %parallel_loop3A_314 : vector<16xi32>
      %parallel_loop3A_316 = tpu.vector_load_idx %arg5[%parallel_loop3A_315] : memref<844xf32, #tpu.memory_space<vmem>>[vector<16xi32>], vector<16xf32>,
      %parallel_loop3A_317 = arith.constant 28 : i32
      %parallel_loop3A_318 = arith.constant 0 : i32
      %parallel_loop3A_319 = arith.index_cast %parallel_loop3A_317 : i32 to index
      %parallel_loop3A_320 = arith.index_cast %parallel_loop3A_318 : i32 to index
      %parallel_loop3A_321 = arith.index_cast %parallel_loop3A_17 : i32 to index
      %parallel_loop3A_322 = tpu.vector_load %arg7[%parallel_loop3A_319, %parallel_loop3A_320, %parallel_loop3A_321] {strides = array<i32>} : memref<46x1x512xf32, #tpu.memory_space<vmem>>, vector<16xf32>,
      tpu.vector_store %arg7[%parallel_loop3A_319, %parallel_loop3A_320, %parallel_loop3A_321], %parallel_loop3A_316 {strides = array<i32>} : memref<46x1x512xf32, #tpu.memory_space<vmem>>, vector<16xf32>,
      %parallel_loop3A_323 = arith.constant 29 : i32
      %parallel_loop3A_324 = vector.broadcast %parallel_loop3A_323 : i32 to vector<16xi32>
      %parallel_loop3A_325 = arith.addi %parallel_loop3A_32, %parallel_loop3A_324 : vector<16xi32>
      %parallel_loop3A_326 = tpu.vector_load_idx %arg5[%parallel_loop3A_325] : memref<844xf32, #tpu.memory_space<vmem>>[vector<16xi32>], vector<16xf32>,
      %parallel_loop3A_327 = arith.constant 29 : i32
      %parallel_loop3A_328 = arith.constant 0 : i32
      %parallel_loop3A_329 = arith.index_cast %parallel_loop3A_327 : i32 to index
      %parallel_loop3A_330 = arith.index_cast %parallel_loop3A_328 : i32 to index
      %parallel_loop3A_331 = arith.index_cast %parallel_loop3A_17 : i32 to index
      %parallel_loop3A_332 = tpu.vector_load %arg7[%parallel_loop3A_329, %parallel_loop3A_330, %parallel_loop3A_331] {strides = array<i32>} : memref<46x1x512xf32, #tpu.memory_space<vmem>>, vector<16xf32>,
      tpu.vector_store %arg7[%parallel_loop3A_329, %parallel_loop3A_330, %parallel_loop3A_331], %parallel_loop3A_326 {strides = array<i32>} : memref<46x1x512xf32, #tpu.memory_space<vmem>>, vector<16xf32>,
      %parallel_loop3A_333 = arith.constant 30 : i32
      %parallel_loop3A_334 = vector.broadcast %parallel_loop3A_333 : i32 to vector<16xi32>
      %parallel_loop3A_335 = arith.addi %parallel_loop3A_32, %parallel_loop3A_334 : vector<16xi32>
      %parallel_loop3A_336 = tpu.vector_load_idx %arg5[%parallel_loop3A_335] : memref<844xf32, #tpu.memory_space<vmem>>[vector<16xi32>], vector<16xf32>,
      %parallel_loop3A_337 = arith.constant 30 : i32
      %parallel_loop3A_338 = arith.constant 0 : i32
      %parallel_loop3A_339 = arith.index_cast %parallel_loop3A_337 : i32 to index
      %parallel_loop3A_340 = arith.index_cast %parallel_loop3A_338 : i32 to index
      %parallel_loop3A_341 = arith.index_cast %parallel_loop3A_17 : i32 to index
      %parallel_loop3A_342 = tpu.vector_load %arg7[%parallel_loop3A_339, %parallel_loop3A_340, %parallel_loop3A_341] {strides = array<i32>} : memref<46x1x512xf32, #tpu.memory_space<vmem>>, vector<16xf32>,
      tpu.vector_store %arg7[%parallel_loop3A_339, %parallel_loop3A_340, %parallel_loop3A_341], %parallel_loop3A_336 {strides = array<i32>} : memref<46x1x512xf32, #tpu.memory_space<vmem>>, vector<16xf32>,
      %parallel_loop3A_343 = arith.constant 31 : i32
      %parallel_loop3A_344 = vector.broadcast %parallel_loop3A_343 : i32 to vector<16xi32>
      %parallel_loop3A_345 = arith.addi %parallel_loop3A_32, %parallel_loop3A_344 : vector<16xi32>
      %parallel_loop3A_346 = tpu.vector_load_idx %arg5[%parallel_loop3A_345] : memref<844xf32, #tpu.memory_space<vmem>>[vector<16xi32>], vector<16xf32>,
      %parallel_loop3A_347 = arith.constant 31 : i32
      %parallel_loop3A_348 = arith.constant 0 : i32
      %parallel_loop3A_349 = arith.index_cast %parallel_loop3A_347 : i32 to index
      %parallel_loop3A_350 = arith.index_cast %parallel_loop3A_348 : i32 to index
      %parallel_loop3A_351 = arith.index_cast %parallel_loop3A_17 : i32 to index
      %parallel_loop3A_352 = tpu.vector_load %arg7[%parallel_loop3A_349, %parallel_loop3A_350, %parallel_loop3A_351] {strides = array<i32>} : memref<46x1x512xf32, #tpu.memory_space<vmem>>, vector<16xf32>,
      tpu.vector_store %arg7[%parallel_loop3A_349, %parallel_loop3A_350, %parallel_loop3A_351], %parallel_loop3A_346 {strides = array<i32>} : memref<46x1x512xf32, #tpu.memory_space<vmem>>, vector<16xf32>,
      %parallel_loop3A_353 = arith.constant 32 : i32
      %parallel_loop3A_354 = vector.broadcast %parallel_loop3A_353 : i32 to vector<16xi32>
      %parallel_loop3A_355 = arith.addi %parallel_loop3A_32, %parallel_loop3A_354 : vector<16xi32>
      %parallel_loop3A_356 = tpu.vector_load_idx %arg5[%parallel_loop3A_355] : memref<844xf32, #tpu.memory_space<vmem>>[vector<16xi32>], vector<16xf32>,
      %parallel_loop3A_357 = arith.constant 32 : i32
      %parallel_loop3A_358 = arith.constant 0 : i32
      %parallel_loop3A_359 = arith.index_cast %parallel_loop3A_357 : i32 to index
      %parallel_loop3A_360 = arith.index_cast %parallel_loop3A_358 : i32 to index
      %parallel_loop3A_361 = arith.index_cast %parallel_loop3A_17 : i32 to index
      %parallel_loop3A_362 = tpu.vector_load %arg7[%parallel_loop3A_359, %parallel_loop3A_360, %parallel_loop3A_361] {strides = array<i32>} : memref<46x1x512xf32, #tpu.memory_space<vmem>>, vector<16xf32>,
      tpu.vector_store %arg7[%parallel_loop3A_359, %parallel_loop3A_360, %parallel_loop3A_361], %parallel_loop3A_356 {strides = array<i32>} : memref<46x1x512xf32, #tpu.memory_space<vmem>>, vector<16xf32>,
      %parallel_loop3A_363 = arith.constant 33 : i32
      %parallel_loop3A_364 = vector.broadcast %parallel_loop3A_363 : i32 to vector<16xi32>
      %parallel_loop3A_365 = arith.addi %parallel_loop3A_32, %parallel_loop3A_364 : vector<16xi32>
      %parallel_loop3A_366 = tpu.vector_load_idx %arg5[%parallel_loop3A_365] : memref<844xf32, #tpu.memory_space<vmem>>[vector<16xi32>], vector<16xf32>,
      %parallel_loop3A_367 = arith.constant 33 : i32
      %parallel_loop3A_368 = arith.constant 0 : i32
      %parallel_loop3A_369 = arith.index_cast %parallel_loop3A_367 : i32 to index
      %parallel_loop3A_370 = arith.index_cast %parallel_loop3A_368 : i32 to index
      %parallel_loop3A_371 = arith.index_cast %parallel_loop3A_17 : i32 to index
      %parallel_loop3A_372 = tpu.vector_load %arg7[%parallel_loop3A_369, %parallel_loop3A_370, %parallel_loop3A_371] {strides = array<i32>} : memref<46x1x512xf32, #tpu.memory_space<vmem>>, vector<16xf32>,
      tpu.vector_store %arg7[%parallel_loop3A_369, %parallel_loop3A_370, %parallel_loop3A_371], %parallel_loop3A_366 {strides = array<i32>} : memref<46x1x512xf32, #tpu.memory_space<vmem>>, vector<16xf32>,
      %parallel_loop3A_373 = arith.constant 34 : i32
      %parallel_loop3A_374 = vector.broadcast %parallel_loop3A_373 : i32 to vector<16xi32>
      %parallel_loop3A_375 = arith.addi %parallel_loop3A_32, %parallel_loop3A_374 : vector<16xi32>
      %parallel_loop3A_376 = tpu.vector_load_idx %arg5[%parallel_loop3A_375] : memref<844xf32, #tpu.memory_space<vmem>>[vector<16xi32>], vector<16xf32>,
      %parallel_loop3A_377 = arith.constant 34 : i32
      %parallel_loop3A_378 = arith.constant 0 : i32
      %parallel_loop3A_379 = arith.index_cast %parallel_loop3A_377 : i32 to index
      %parallel_loop3A_380 = arith.index_cast %parallel_loop3A_378 : i32 to index
      %parallel_loop3A_381 = arith.index_cast %parallel_loop3A_17 : i32 to index
      %parallel_loop3A_382 = tpu.vector_load %arg7[%parallel_loop3A_379, %parallel_loop3A_380, %parallel_loop3A_381] {strides = array<i32>} : memref<46x1x512xf32, #tpu.memory_space<vmem>>, vector<16xf32>,
      tpu.vector_store %arg7[%parallel_loop3A_379, %parallel_loop3A_380, %parallel_loop3A_381], %parallel_loop3A_376 {strides = array<i32>} : memref<46x1x512xf32, #tpu.memory_space<vmem>>, vector<16xf32>,
      %parallel_loop3A_383 = arith.constant 35 : i32
      %parallel_loop3A_384 = vector.broadcast %parallel_loop3A_383 : i32 to vector<16xi32>
      %parallel_loop3A_385 = arith.addi %parallel_loop3A_32, %parallel_loop3A_384 : vector<16xi32>
      %parallel_loop3A_386 = tpu.vector_load_idx %arg5[%parallel_loop3A_385] : memref<844xf32, #tpu.memory_space<vmem>>[vector<16xi32>], vector<16xf32>,
      %parallel_loop3A_387 = arith.constant 35 : i32
      %parallel_loop3A_388 = arith.constant 0 : i32
      %parallel_loop3A_389 = arith.index_cast %parallel_loop3A_387 : i32 to index
      %parallel_loop3A_390 = arith.index_cast %parallel_loop3A_388 : i32 to index
      %parallel_loop3A_391 = arith.index_cast %parallel_loop3A_17 : i32 to index
      %parallel_loop3A_392 = tpu.vector_load %arg7[%parallel_loop3A_389, %parallel_loop3A_390, %parallel_loop3A_391] {strides = array<i32>} : memref<46x1x512xf32, #tpu.memory_space<vmem>>, vector<16xf32>,
      tpu.vector_store %arg7[%parallel_loop3A_389, %parallel_loop3A_390, %parallel_loop3A_391], %parallel_loop3A_386 {strides = array<i32>} : memref<46x1x512xf32, #tpu.memory_space<vmem>>, vector<16xf32>,
      %parallel_loop3A_393 = arith.constant 36 : i32
      %parallel_loop3A_394 = vector.broadcast %parallel_loop3A_393 : i32 to vector<16xi32>
      %parallel_loop3A_395 = arith.addi %parallel_loop3A_32, %parallel_loop3A_394 : vector<16xi32>
      %parallel_loop3A_396 = tpu.vector_load_idx %arg5[%parallel_loop3A_395] : memref<844xf32, #tpu.memory_space<vmem>>[vector<16xi32>], vector<16xf32>,
      %parallel_loop3A_397 = arith.constant 36 : i32
      %parallel_loop3A_398 = arith.constant 0 : i32
      %parallel_loop3A_399 = arith.index_cast %parallel_loop3A_397 : i32 to index
      %parallel_loop3A_400 = arith.index_cast %parallel_loop3A_398 : i32 to index
      %parallel_loop3A_401 = arith.index_cast %parallel_loop3A_17 : i32 to index
      %parallel_loop3A_402 = tpu.vector_load %arg7[%parallel_loop3A_399, %parallel_loop3A_400, %parallel_loop3A_401] {strides = array<i32>} : memref<46x1x512xf32, #tpu.memory_space<vmem>>, vector<16xf32>,
      tpu.vector_store %arg7[%parallel_loop3A_399, %parallel_loop3A_400, %parallel_loop3A_401], %parallel_loop3A_396 {strides = array<i32>} : memref<46x1x512xf32, #tpu.memory_space<vmem>>, vector<16xf32>,
      %parallel_loop3A_403 = arith.constant 37 : i32
      %parallel_loop3A_404 = vector.broadcast %parallel_loop3A_403 : i32 to vector<16xi32>
      %parallel_loop3A_405 = arith.addi %parallel_loop3A_32, %parallel_loop3A_404 : vector<16xi32>
      %parallel_loop3A_406 = tpu.vector_load_idx %arg5[%parallel_loop3A_405] : memref<844xf32, #tpu.memory_space<vmem>>[vector<16xi32>], vector<16xf32>,
      %parallel_loop3A_407 = arith.constant 37 : i32
      %parallel_loop3A_408 = arith.constant 0 : i32
      %parallel_loop3A_409 = arith.index_cast %parallel_loop3A_407 : i32 to index
      %parallel_loop3A_410 = arith.index_cast %parallel_loop3A_408 : i32 to index
      %parallel_loop3A_411 = arith.index_cast %parallel_loop3A_17 : i32 to index
      %parallel_loop3A_412 = tpu.vector_load %arg7[%parallel_loop3A_409, %parallel_loop3A_410, %parallel_loop3A_411] {strides = array<i32>} : memref<46x1x512xf32, #tpu.memory_space<vmem>>, vector<16xf32>,
      tpu.vector_store %arg7[%parallel_loop3A_409, %parallel_loop3A_410, %parallel_loop3A_411], %parallel_loop3A_406 {strides = array<i32>} : memref<46x1x512xf32, #tpu.memory_space<vmem>>, vector<16xf32>,
      %parallel_loop3A_413 = arith.constant 38 : i32
      %parallel_loop3A_414 = vector.broadcast %parallel_loop3A_413 : i32 to vector<16xi32>
      %parallel_loop3A_415 = arith.addi %parallel_loop3A_32, %parallel_loop3A_414 : vector<16xi32>
      %parallel_loop3A_416 = tpu.vector_load_idx %arg5[%parallel_loop3A_415] : memref<844xf32, #tpu.memory_space<vmem>>[vector<16xi32>], vector<16xf32>,
      %parallel_loop3A_417 = arith.constant 38 : i32
      %parallel_loop3A_418 = arith.constant 0 : i32
      %parallel_loop3A_419 = arith.index_cast %parallel_loop3A_417 : i32 to index
      %parallel_loop3A_420 = arith.index_cast %parallel_loop3A_418 : i32 to index
      %parallel_loop3A_421 = arith.index_cast %parallel_loop3A_17 : i32 to index
      %parallel_loop3A_422 = tpu.vector_load %arg7[%parallel_loop3A_419, %parallel_loop3A_420, %parallel_loop3A_421] {strides = array<i32>} : memref<46x1x512xf32, #tpu.memory_space<vmem>>, vector<16xf32>,
      tpu.vector_store %arg7[%parallel_loop3A_419, %parallel_loop3A_420, %parallel_loop3A_421], %parallel_loop3A_416 {strides = array<i32>} : memref<46x1x512xf32, #tpu.memory_space<vmem>>, vector<16xf32>,
      %parallel_loop3A_423 = arith.constant 39 : i32
      %parallel_loop3A_424 = vector.broadcast %parallel_loop3A_423 : i32 to vector<16xi32>
      %parallel_loop3A_425 = arith.addi %parallel_loop3A_32, %parallel_loop3A_424 : vector<16xi32>
      %parallel_loop3A_426 = tpu.vector_load_idx %arg5[%parallel_loop3A_425] : memref<844xf32, #tpu.memory_space<vmem>>[vector<16xi32>], vector<16xf32>,
      %parallel_loop3A_427 = arith.constant 39 : i32
      %parallel_loop3A_428 = arith.constant 0 : i32
      %parallel_loop3A_429 = arith.index_cast %parallel_loop3A_427 : i32 to index
      %parallel_loop3A_430 = arith.index_cast %parallel_loop3A_428 : i32 to index
      %parallel_loop3A_431 = arith.index_cast %parallel_loop3A_17 : i32 to index
      %parallel_loop3A_432 = tpu.vector_load %arg7[%parallel_loop3A_429, %parallel_loop3A_430, %parallel_loop3A_431] {strides = array<i32>} : memref<46x1x512xf32, #tpu.memory_space<vmem>>, vector<16xf32>,
      tpu.vector_store %arg7[%parallel_loop3A_429, %parallel_loop3A_430, %parallel_loop3A_431], %parallel_loop3A_426 {strides = array<i32>} : memref<46x1x512xf32, #tpu.memory_space<vmem>>, vector<16xf32>,
      %parallel_loop3A_433 = arith.constant 40 : i32
      %parallel_loop3A_434 = vector.broadcast %parallel_loop3A_433 : i32 to vector<16xi32>
      %parallel_loop3A_435 = arith.addi %parallel_loop3A_32, %parallel_loop3A_434 : vector<16xi32>
      %parallel_loop3A_436 = tpu.vector_load_idx %arg5[%parallel_loop3A_435] : memref<844xf32, #tpu.memory_space<vmem>>[vector<16xi32>], vector<16xf32>,
      %parallel_loop3A_437 = arith.constant 40 : i32
      %parallel_loop3A_438 = arith.constant 0 : i32
      %parallel_loop3A_439 = arith.index_cast %parallel_loop3A_437 : i32 to index
      %parallel_loop3A_440 = arith.index_cast %parallel_loop3A_438 : i32 to index
      %parallel_loop3A_441 = arith.index_cast %parallel_loop3A_17 : i32 to index
      %parallel_loop3A_442 = tpu.vector_load %arg7[%parallel_loop3A_439, %parallel_loop3A_440, %parallel_loop3A_441] {strides = array<i32>} : memref<46x1x512xf32, #tpu.memory_space<vmem>>, vector<16xf32>,
      tpu.vector_store %arg7[%parallel_loop3A_439, %parallel_loop3A_440, %parallel_loop3A_441], %parallel_loop3A_436 {strides = array<i32>} : memref<46x1x512xf32, #tpu.memory_space<vmem>>, vector<16xf32>,
      %parallel_loop3A_443 = arith.constant 41 : i32
      %parallel_loop3A_444 = vector.broadcast %parallel_loop3A_443 : i32 to vector<16xi32>
      %parallel_loop3A_445 = arith.addi %parallel_loop3A_32, %parallel_loop3A_444 : vector<16xi32>
      %parallel_loop3A_446 = tpu.vector_load_idx %arg5[%parallel_loop3A_445] : memref<844xf32, #tpu.memory_space<vmem>>[vector<16xi32>], vector<16xf32>,
      %parallel_loop3A_447 = arith.constant 41 : i32
      %parallel_loop3A_448 = arith.constant 0 : i32
      %parallel_loop3A_449 = arith.index_cast %parallel_loop3A_447 : i32 to index
      %parallel_loop3A_450 = arith.index_cast %parallel_loop3A_448 : i32 to index
      %parallel_loop3A_451 = arith.index_cast %parallel_loop3A_17 : i32 to index
      %parallel_loop3A_452 = tpu.vector_load %arg7[%parallel_loop3A_449, %parallel_loop3A_450, %parallel_loop3A_451] {strides = array<i32>} : memref<46x1x512xf32, #tpu.memory_space<vmem>>, vector<16xf32>,
      tpu.vector_store %arg7[%parallel_loop3A_449, %parallel_loop3A_450, %parallel_loop3A_451], %parallel_loop3A_446 {strides = array<i32>} : memref<46x1x512xf32, #tpu.memory_space<vmem>>, vector<16xf32>,
      %parallel_loop3A_453 = arith.constant 42 : i32
      %parallel_loop3A_454 = vector.broadcast %parallel_loop3A_453 : i32 to vector<16xi32>
      %parallel_loop3A_455 = arith.addi %parallel_loop3A_32, %parallel_loop3A_454 : vector<16xi32>
      %parallel_loop3A_456 = tpu.vector_load_idx %arg5[%parallel_loop3A_455] : memref<844xf32, #tpu.memory_space<vmem>>[vector<16xi32>], vector<16xf32>,
      %parallel_loop3A_457 = arith.constant 42 : i32
      %parallel_loop3A_458 = arith.constant 0 : i32
      %parallel_loop3A_459 = arith.index_cast %parallel_loop3A_457 : i32 to index
      %parallel_loop3A_460 = arith.index_cast %parallel_loop3A_458 : i32 to index
      %parallel_loop3A_461 = arith.index_cast %parallel_loop3A_17 : i32 to index
      %parallel_loop3A_462 = tpu.vector_load %arg7[%parallel_loop3A_459, %parallel_loop3A_460, %parallel_loop3A_461] {strides = array<i32>} : memref<46x1x512xf32, #tpu.memory_space<vmem>>, vector<16xf32>,
      tpu.vector_store %arg7[%parallel_loop3A_459, %parallel_loop3A_460, %parallel_loop3A_461], %parallel_loop3A_456 {strides = array<i32>} : memref<46x1x512xf32, #tpu.memory_space<vmem>>, vector<16xf32>,
      %parallel_loop3A_463 = arith.constant 43 : i32
      %parallel_loop3A_464 = vector.broadcast %parallel_loop3A_463 : i32 to vector<16xi32>
      %parallel_loop3A_465 = arith.addi %parallel_loop3A_32, %parallel_loop3A_464 : vector<16xi32>
      %parallel_loop3A_466 = tpu.vector_load_idx %arg5[%parallel_loop3A_465] : memref<844xf32, #tpu.memory_space<vmem>>[vector<16xi32>], vector<16xf32>,
      %parallel_loop3A_467 = arith.constant 43 : i32
      %parallel_loop3A_468 = arith.constant 0 : i32
      %parallel_loop3A_469 = arith.index_cast %parallel_loop3A_467 : i32 to index
      %parallel_loop3A_470 = arith.index_cast %parallel_loop3A_468 : i32 to index
      %parallel_loop3A_471 = arith.index_cast %parallel_loop3A_17 : i32 to index
      %parallel_loop3A_472 = tpu.vector_load %arg7[%parallel_loop3A_469, %parallel_loop3A_470, %parallel_loop3A_471] {strides = array<i32>} : memref<46x1x512xf32, #tpu.memory_space<vmem>>, vector<16xf32>,
      tpu.vector_store %arg7[%parallel_loop3A_469, %parallel_loop3A_470, %parallel_loop3A_471], %parallel_loop3A_466 {strides = array<i32>} : memref<46x1x512xf32, #tpu.memory_space<vmem>>, vector<16xf32>,
      %parallel_loop3A_473 = arith.constant 44 : i32
      %parallel_loop3A_474 = vector.broadcast %parallel_loop3A_473 : i32 to vector<16xi32>
      %parallel_loop3A_475 = arith.addi %parallel_loop3A_32, %parallel_loop3A_474 : vector<16xi32>
      %parallel_loop3A_476 = tpu.vector_load_idx %arg5[%parallel_loop3A_475] : memref<844xf32, #tpu.memory_space<vmem>>[vector<16xi32>], vector<16xf32>,
      %parallel_loop3A_477 = arith.constant 44 : i32
      %parallel_loop3A_478 = arith.constant 0 : i32
      %parallel_loop3A_479 = arith.index_cast %parallel_loop3A_477 : i32 to index
      %parallel_loop3A_480 = arith.index_cast %parallel_loop3A_478 : i32 to index
      %parallel_loop3A_481 = arith.index_cast %parallel_loop3A_17 : i32 to index
      %parallel_loop3A_482 = tpu.vector_load %arg7[%parallel_loop3A_479, %parallel_loop3A_480, %parallel_loop3A_481] {strides = array<i32>} : memref<46x1x512xf32, #tpu.memory_space<vmem>>, vector<16xf32>,
      tpu.vector_store %arg7[%parallel_loop3A_479, %parallel_loop3A_480, %parallel_loop3A_481], %parallel_loop3A_476 {strides = array<i32>} : memref<46x1x512xf32, #tpu.memory_space<vmem>>, vector<16xf32>,
      %parallel_loop3A_483 = arith.constant 45 : i32
      %parallel_loop3A_484 = vector.broadcast %parallel_loop3A_483 : i32 to vector<16xi32>
      %parallel_loop3A_485 = arith.addi %parallel_loop3A_32, %parallel_loop3A_484 : vector<16xi32>
      %parallel_loop3A_486 = tpu.vector_load_idx %arg5[%parallel_loop3A_485] : memref<844xf32, #tpu.memory_space<vmem>>[vector<16xi32>], vector<16xf32>,
      %parallel_loop3A_487 = arith.constant 45 : i32
      %parallel_loop3A_488 = arith.constant 0 : i32
      %parallel_loop3A_489 = arith.index_cast %parallel_loop3A_487 : i32 to index
      %parallel_loop3A_490 = arith.index_cast %parallel_loop3A_488 : i32 to index
      %parallel_loop3A_491 = arith.index_cast %parallel_loop3A_17 : i32 to index
      %parallel_loop3A_492 = tpu.vector_load %arg7[%parallel_loop3A_489, %parallel_loop3A_490, %parallel_loop3A_491] {strides = array<i32>} : memref<46x1x512xf32, #tpu.memory_space<vmem>>, vector<16xf32>,
      tpu.vector_store %arg7[%parallel_loop3A_489, %parallel_loop3A_490, %parallel_loop3A_491], %parallel_loop3A_486 {strides = array<i32>} : memref<46x1x512xf32, #tpu.memory_space<vmem>>, vector<16xf32>,
    } {sc.loop_unroll_factor = 1 : i64, sc.parallel_access}
    "tpu.region"() ({
      %run_scoped3A = tpu.sem_alloc : memref<!tpu.dma_semaphore, #tpu.memory_space<semaphore_mem>>
      %dma_start3A = arith.constant 0 : i32
      %dma_start3A_15 = arith.constant 0 : i32
      %dma_start3A_16 = tpu.memref_slice %arg4[%dma_start3A, %dma_start3A_15, %mul3A_2] : memref<46x1x16384xf32, #tpu.memory_space<hbm>> -> memref<46x1x512xf32, #tpu.memory_space<hbm>>
      %dma_start3A_17 = arith.constant 0 : i32
      %dma_start3A_18 = arith.constant 0 : i32
      %dma_start3A_19 = tpu.memref_slice %arg4[%dma_start3A_17, %dma_start3A_18, %mul3A_2] : memref<46x1x16384xf32, #tpu.memory_space<hbm>> -> memref<46x1x512xf32, #tpu.memory_space<hbm>>
      tpu.enqueue_dma source(%arg7 : memref<46x1x512xf32, #tpu.memory_space<vmem>>) target(%dma_start3A_19 : memref<46x1x512xf32, #tpu.memory_space<hbm>>) target_semaphore(%run_scoped3A : memref<!tpu.dma_semaphore, #tpu.memory_space<semaphore_mem>>)
      %dma_wait3A = arith.constant 0 : i32
      %dma_wait3A_20 = arith.constant 0 : i32
      %dma_wait3A_21 = tpu.memref_slice %arg4[%dma_wait3A, %dma_wait3A_20, %mul3A_2] : memref<46x1x16384xf32, #tpu.memory_space<hbm>> -> memref<46x1x512xf32, #tpu.memory_space<hbm>>
      %dma_wait3A_22 = arith.constant 0 : i32
      %dma_wait3A_23 = arith.constant 0 : i32
      %dma_wait3A_24 = tpu.memref_slice %arg4[%dma_wait3A_22, %dma_wait3A_23, %mul3A_2] : memref<46x1x16384xf32, #tpu.memory_space<hbm>> -> memref<46x1x512xf32, #tpu.memory_space<hbm>>
      tpu.wait_dma2 semaphore(%run_scoped3A : memref<!tpu.dma_semaphore, #tpu.memory_space<semaphore_mem>>) src(%arg7 : memref<46x1x512xf32, #tpu.memory_space<vmem>>) dst(%dma_wait3A_24 : memref<46x1x512xf32, #tpu.memory_space<hbm>>)
      tpu.yield
    }) : () -> ()
    return
  }
}

</mosaic_0001>

<sc_bundles>
// kernel: _sc_gather.3.cloned.1.call-start
scs
__scs_entry_jumppad:
0x0: {  	(pc) =	sbr.rel $0x88, $3  }
0x1: {  	(tag) =	ssettag $0x0;
	lr =	simm.s32 $0x1  }
0x2: {  	[smem:$0x3F9F] =	sst lr;
	_ =	strace $0xD0000000  }
0x3: {  	_ = 	snop  }
0x4: {  	_ = 	snop  }
0x5: {  	_ = 	snop  }
0x6: {  	_ = 	snop  }
0x7: {  	_ = 	snop  }
__scs_overlays_trampoline_lowered:
0x8: {  	[smem:$0x3FAE] =	sst s0  }
0x9: {  	[smem:$0x3FAF] =	sst s1  }
0xa: {  	[smem:$0x3FB0] =	sst s2  }
0xb: {  	[smem:$0x3FB1] =	sst s3  }
0xc: {  	[smem:$0x3FB2] =	sst s4  }
0xd: {  	[smem:$0x3FB3] =	sst s5  }
0xe: {  	[smem:$0x3FB4] =	sst s6  }
0xf: {  	[smem:$0x3FB5] =	sst s7  }
0x10: {  	[smem:$0x3FB6] =	sst s8  }
0x11: {  	[smem:$0x3FB7] =	sst s9;
	s0 =	simm.s32 @!p0 $0x0  }
0x12: {  	s1 =	sld [smem:$0x3F9D];
	s0 =	simm.s32 @p0 $0x1  }
0x13: {  	[smem:$0x3FB8] =	sst s0;
	s0 =	simm.s32 @!p1 $0x0  }
0x14: {  	s2 =	sld [smem:$0x3F9C];
	s0 =	simm.s32 @p1 $0x1  }
0x15: {  	[smem:$0x3FB9] =	sst s0;
	s0 =	simm.s32 @!p2 $0x0  }
0x16: {  	s3 =	sld [smem:$0x3FDB];
	s0 =	simm.s32 @p2 $0x1  }
0x17: {  	s4 =	simm.s32 $0x1BF5;
	[smem:$0x3FBB] =	sst s0  }
0x18: {  	s0 =	sld [smem:$0x3F9E];
	_ =	swait.ge [sflag:s4], $0x0  }
0x19: {  	s7 =	sld [smem:$0x3F9F]  }
0x1a: {  	s8 =	sadd.s32 $0xFFFFE003, lr  }
0x1b: {  	s9 =	sadd.s32 $0xFFFFFEF7, lr;
	s5 =	simm.s32 $0xFFFFFFFF;
	p2 =	slt.u32 s8, $0xFFFFF086  }
0x1c: {  	p1 =	slt.u32 s9, $0xF7A;
	s5 =	simm.s32 @!p2 $0x0  }
0x1d: {  	s5 =	simm.s32 @p1 $0x1;
	p0 =	seq.s32 s7, s2  }
0x1e: {  	s7 =	smul.u32 @!p0 $0xF7A, s2;
	p2 =	seq.s32 @!p0 s5, $0x0  }
0x1f: {  	s9 =	smul.u32 $0xF7A, s1;
	s8 =	simm.s32 @!p0 $0x1BF5;
	p2 =	por !p2, p0  }
0x20: {  	[sflag:s8] =	ssyncset.s32 @!p0 $0xFFFFF086;
	s6 =	sadd.s32 @!p0 s3, s7;
	s7 =	simm.s32 @!p0 $0x108  }
0x21: {  	s3 =	sadd.s32 s3, s9;
	s6 =	sadd.s32 @!p0 $0x88, s6;
	s7 =	simm.s32 @p2 $0x1082  }
0x22: {  	[simem:s7], [sflag:s8] =	dma.local @!p0 [hbm:s6], $0xF7A  }
0x23: {  	s9 =	sor.u32 $0xD0000000, s2;
	s6 =	simm.s32 $0x108;
	_ =	swait.ge @!p0 [sflag:s8], $0x0  }
0x24: {  	s3 =	sadd.s32 $0x88, s3;
	s6 =	simm.s32 @!p1 $0x1082;
	[sflag:s4] =	ssyncset.s32 $0xFFFFF086  }
0x25: {  	[simem:s6], [sflag:s4] =	dma.local [hbm:s3], $0xF7A  }
0x26: {  	[smem:$0x3F9F] =	sst s1;
	(tag) =	ssettag s2;
	_ =	strace s9  }
0x27: {  	s1 =	sld [smem:$0x3FAF]  }
0x28: {  	s2 =	sld [smem:$0x3FB0]  }
0x29: {  	s4 =	sld [smem:$0x3FB2]  }
0x2a: {  	p0 =	seq.s32 s5, $0x0;
	s5 =	sld [smem:$0x3FB3]  }
0x2b: {  	s6 =	sld [smem:$0x3FB4]  }
0x2c: {  	s7 =	sld [smem:$0x3FB5]  }
0x2d: {  	s3 =	simm.s32 $0x108;
	s8 =	sld [smem:$0x3FB6]  }
0x2e: {  	s3 =	simm.s32 @!p0 $0x1082;
	s9 =	sld [smem:$0x3FB7]  }
0x2f: {  	lr =	sadd.s32 s0, s3;
	s0 =	sld [smem:$0x3FAE]  }
0x30: {  	s3 =	sld [smem:$0x3FB1]  }
0x31: {  	[smem:$0x3FBA] =	sst s10  }
0x32: {  	s10 =	sld [smem:$0x3FB8];
	_ =	sdelay $0x3  }
0x33: {  	p0 =	seq.s32 s10, $0x1;
	s10 =	sld [smem:$0x3FBA];
	_ =	sdelay $0x3  }
0x34: {  	[smem:$0x3FBA] =	sst s10  }
0x35: {  	s10 =	sld [smem:$0x3FB9];
	_ =	sdelay $0x3  }
0x36: {  	p1 =	seq.s32 s10, $0x1;
	s10 =	sld [smem:$0x3FBA];
	_ =	sdelay $0x3  }
0x37: {  	[smem:$0x3FBA] =	sst s10  }
0x38: {  	s10 =	sld [smem:$0x3FBB]  }
0x39: {  	_ = 	snop;
	(pc) =	sbr.ind lr, $3  }
0x3a: {  	_ = 	snop  }
0x3b: {  	_ = 	snop  }
0x3c: {  	p2 =	seq.s32 s10, $0x1;
	s10 =	sld [smem:$0x3FBA]  }
0x3d: {  	_ =	shalt  }
0x3e: {  	_ =	shalt  }
0x3f: {  	_ =	shalt  }
0x40: {  	_ =	shalt  }
0x41: {  	_ =	shalt  }
0x42: {  	_ =	shalt  }
0x43: {  	_ =	shalt  }
0x44: {  	_ =	shalt  }
0x45: {  	_ =	shalt  }
0x46: {  	_ =	shalt  }
0x47: {  	_ =	shalt  }
0x48: {  	_ =	shalt  }
0x49: {  	_ =	shalt  }
0x4a: {  	_ =	shalt  }
0x4b: {  	_ =	shalt  }
0x4c: {  	_ =	shalt  }
0x4d: {  	_ =	shalt  }
0x4e: {  	_ =	shalt  }
0x4f: {  	_ =	shalt  }
0x50: {  	_ =	shalt  }
0x51: {  	_ =	shalt  }
0x52: {  	_ =	shalt  }
0x53: {  	_ =	shalt  }
0x54: {  	_ =	shalt  }
0x55: {  	_ =	shalt  }
0x56: {  	_ =	shalt  }
0x57: {  	_ =	shalt  }
0x58: {  	_ =	shalt  }
0x59: {  	_ =	shalt  }
0x5a: {  	_ =	shalt  }
0x5b: {  	_ =	shalt  }
0x5c: {  	_ =	shalt  }
0x5d: {  	_ =	shalt  }
0x5e: {  	_ =	shalt  }
0x5f: {  	_ =	shalt  }
0x60: {  	_ =	shalt  }
0x61: {  	_ =	shalt  }
0x62: {  	_ =	shalt  }
0x63: {  	_ =	shalt  }
0x64: {  	_ =	shalt  }
0x65: {  	_ =	shalt  }
0x66: {  	_ =	shalt  }
0x67: {  	_ =	shalt  }
0x68: {  	_ =	shalt  }
0x69: {  	_ =	shalt  }
0x6a: {  	_ =	shalt  }
0x6b: {  	_ =	shalt  }
0x6c: {  	_ =	shalt  }
0x6d: {  	_ =	shalt  }
0x6e: {  	_ =	shalt  }
0x6f: {  	_ =	shalt  }
0x70: {  	_ =	shalt  }
0x71: {  	_ =	shalt  }
0x72: {  	_ =	shalt  }
0x73: {  	_ =	shalt  }
0x74: {  	_ =	shalt  }
0x75: {  	_ =	shalt  }
0x76: {  	_ =	shalt  }
0x77: {  	_ =	shalt  }
0x78: {  	_ =	shalt  }
0x79: {  	_ =	shalt  }
0x7a: {  	_ =	shalt  }
0x7b: {  	_ =	shalt  }
0x7c: {  	_ =	shalt  }
0x7d: {  	_ =	shalt  }
0x7e: {  	_ =	shalt  }
0x7f: {  	_ =	shalt  }
0x80: {  	_ =	shalt  }
0x81: {  	_ =	shalt  }
0x82: {  	_ =	shalt  }
0x83: {  	_ =	shalt  }
0x84: {  	_ =	shalt  }
0x85: {  	_ =	shalt  }
0x86: {  	_ =	shalt  }
0x87: {  	_ =	shalt  }
.Lfunc_end0:
.L_simem_size_0:
called_computation_lowered:
.L_overlay_start_0:
0x88: {  	s2 =	sld [smem:$0x3FD9]  }
0x89: {  	s3 =	sld [smem:$0x3FFE];
	_ =	sdelay $0x1  }
0x8a: {  	s1 =	srdreg.scid  }
0x8b: {  	s0 =	sand.u32 $0x1, s1  }
0x8c: {  	s18 =	sshll.u32 s0, $0xA;
	s2 =	sadd.s32 s3, s2  }
0x8d: {  	s2 =	sadd.s32 s2, s18  }
0x8e: {  	[smem:$0x3FC6] =	sst s2  }
0x8f: {  	_ = 	snop  }
0x90: {  	s2 =	sld [smem:$0x3FC9]  }
0x91: {  	s19 =	sld [smem:$0x3FC8]  }
0x92: {  	s4 =	sld [smem:$0x3FD0];
	(tm) =	ssettm $0x1  }
0x93: {  	s5 =	sld [smem:$0x3FFB];
	_ =	sdelay $0x3  }
0x94: {  	_ =	strace s5  }
0x95: {  	s5 =	sld [smem:$0x3FFC];
	_ =	sdelay $0x3  }
0x96: {  	_ =	strace s5  }
0x97: {  	s5 =	sld [smem:$0x3FFD];
	_ =	sdelay $0x3  }
0x98: {  	_ =	strace s5  }
0x99: {  	_ =	strace $0x8FFFFFFF  }
0x9a: {  	s20 =	sld [smem:$0x3FDB];
	_ =	sdelay $0x1  }
0x9b: {  	s6 =	simm.s32 $_scs_section_size  }
0x9c: {  	s7 =	simm.s32 $_size__tile_overlayer_lowered;
	s8 =	simm.s32 $_tile_overlayer_lowered  }
0x9d: {  	s23 =	simm.s32 $0x1BFF;
	s22 =	sshll.u32 s8, $0x1;
	s5 =	sadd.s32 s6, s20  }
0x9e: {  	s9 =	simm.s32 $0x0;
	s21 =	sshll.u32 s7, $0x1;
	s7 =	sadd.s32 s22, s5  }
0x9f: {  	[timem:s9], [sflag:s23] =	dma.local [hbm:s7], s21  }
0xa0: {  	_ =	swait.ge [sflag:s23], s21  }
0xa1: {  	s6 =	ssub.s32 $0x0, s21;
	[sflag:s23] =	ssyncset.done $0x0  }
0xa2: {  	[sflag:s23] =	ssyncadd.s32 s6;
	_ =	sdelay $0x1  }
0xa3: {  	s24 =	simm.s32 $0x1B8B  }
0xa4: {  	_ =	swait.ge [sflag:s24], $0x1  }
0xa5: {  	[sflag:s24] =	ssyncset.done $0x0  }
0xa6: {  	s25 =	simm.s32 $0x1B8E;
	[sflag:s24] =	ssyncadd.s32 $0xFFFFFFFF  }
0xa7: {  	s26 =	simm.s32 $execute0_lowered;
	[smem:$0x3FD2] =	sst s25  }
0xa8: {  	s6 =	sshll.u32 s26, $0x1;
	_ =	strace $0x80000046;
	[dreg:$0x1] =	wrdreg $0xFFFFFFFF  }
0xa9: {  	s28 =	simm.s32 $_size_execute0_lowered;
	s5 =	sadd.s32 s5, s6;
	[dreg:$0x0] =	wrdreg $0x0  }
0xaa: {  	s6 =	sshll.u32 s28, $0x1;
	[dreg:$0x2] =	wrdreg s5  }
0xab: {  	[dreg:$0x3] =	wrdreg s6  }
0xac: {  	[dreg:$0x4] =	wrdreg $0xC0  }
0xad: {  	_ =	task [dreg:s9], $0x5FFFF  }
0xae: {  	[dreg:$0x1] =	wrdreg $0xFFFFFFFF  }
0xaf: {  	[dreg:$0x0] =	wrdreg $0x60  }
0xb0: {  	[dreg:$0x2] =	wrdreg s2  }
0xb1: {  	[dreg:$0x3] =	wrdreg s19  }
0xb2: {  	[dreg:$0x4] =	wrdreg s4  }
0xb3: {  	[dreg:$0x5] =	wrdreg $0x9  }
0xb4: {  	_ =	task.clear_ibuf [dreg:s9], $0x6FFFF;
	_ =	strace $0x90000046  }
0xb5: {  	s29 =	simm.s32 $0x9;
	_ =	strace $0x80000048  }
0xb6: {  	_ =	swait.ge [sflag:s29], $0x1  }
0xb7: {  	[sflag:s29] =	ssyncadd.s32 $0xFFFFFFFF  }
0xb8: {  	_ =	strace $0x90000048  }
0xb9: {  	_ =	sfence  }
0xba: {  	s30 =	sld [smem:$0x0];
	_ =	sdelay $0x2  }
0xbb: {  	s31 =	sshll.u32 s1, $0xD;
	s1 =	sshrl.u32 s1, $0x2  }
0xbc: {  	s3 =	sand.u32 $0x4000, s31;
	s1 =	sadd.s32 s1, s30  }
0xbd: {  	s0 =	sor.u32 s3, s0;
	s1 =	sshll.u32 s1, $0x11  }
0xbe: {  	s0 =	sor.u32 s1, s0  }
0xbf: {  	s0 =	sadd.s32 $0x8F2B, s0  }
0xc0: {  	[sflag:s0] =	ssyncadd.remote.s32 $0x1  }
0xc1: {  	_ =	sfence.sel $0xFFFF  }
0xc2: {  	[dreg:$0x0] =	wrdreg $0xFFFFFFFF;
	(pc) =	sbr.abs _section_cstart, $3  }
0xc3: {  	[dreg:$0x1] =	wrdreg $0xFFFFFFFF  }
0xc4: {  	_ =	task.clear_ibuf [dreg:s9], $0x2FFFF;
	_ =	strace $0x9FFFFFFF  }
0xc5: {  	(tm) =	ssettm $0x7FFFFFFF  }
tec
execute0_lowered:
.L_overlay_start_1:
0x0: {  	(tag) =	ssettag $0x1  }
0x1: {  	s1 =	rddreg [dreg:$0x0]  }
0x2: {  	s4 =	rddreg [dreg:$0x1]  }
0x3: {  	s5 =	rddreg [dreg:$0x2];
	s2 =	srdreg.scid  }
0x4: {  	s0 =	rddreg [dreg:$0x3];
	s3 =	simm.s32 $0x0;
	s10 =	simm.s32 $0x4000  }
0x5: {  	s11 =	simm.s32 $0x550;
	s12 =	simm.s32 $0x0;
	s6 =	sand.u32 $0x1, s2  }
0x6: {  	[smem:$0x7FF] =	sst s3;
	s2 =	stileid.u32;
	s7 =	ssub.s32 $0x2, s6  }
0x7: {  	s9 =	sshll.u32 s2, $0x7;
	s6 =	sshll.u32 s6, $0x6;
	_ =	strace $0x80000047  }
0x8: {  	s8 =	sshrl.u32 s7, $0x1;
	s6 =	sor.u32 s6, s9;
	s9 =	simm.s32 $0x200  }
0x9: {  	v3 =	vlaneseq.u32;
	v1 =	vimm.f32 $0.0e+00;
	s7 =	ssub.s32 s7, s8;
	s4 =	sadd.s32 s4, s6;
	s5 =	sadd.s32 s5, s6  }
0xa: {  	v0 =	vadd.s32 $0x30E, v3;
	v2 =	vadd.s32 $0x31E, v3;
	v3 =	vadd.s32 $0x32E, v3;
	s8 =	simm.s32 $0x350;
	s6 =	smax.u32 s7, $0x1;
	s7 =	simm.s32 $0x1  }
.LBB2_1:
0xb: {  	[tilespmem:s3], [sflag:$0x1] =	stream.linear.gather [hbm4b:s1+s3], $0x30E, $0x38;
	[tilespmem:$0x6150] =	vst v63  }
0xc: {  	_ =	swait.ge [sflag:s7], $0x30E  }
0xd: {  	[sflag:s7] =	ssyncset.done $0x0  }
0xe: {  	[sflag:s7] =	ssyncadd.s32 $0xFFFFFCF2  }
0xf: {  	[tilespmem:s8], [sflag:$0x1] =	stream.linear.gather [hbm4b:s4+s3], $0x200, $0x38;
	[tilespmem:$0x6150] =	vst v63  }
0x10: {  	_ =	swait.ge [sflag:s7], $0x200  }
0x11: {  	[sflag:s7] =	ssyncset.done $0x0  }
0x12: {  	[sflag:s7] =	ssyncadd.s32 $0xFFFFFE00  }
0x13: {  	[tilespmem:v0+s3+$0x0] =	vst.idx.msk $0xffff, v1  }
0x14: {  	[tilespmem:v2+s3+$0x0] =	vst.idx.msk $0xffff, v1  }
0x15: {  	s19 =	simm.s32 $0x0;
	[tilespmem:v3+s3+$0x0] =	vst.idx.msk $0xffff, v1  }
0x16: {  	v4 =	vld [tilespmem:s19+$0x350];
	_ =	sdelay $0x4  }
0x17: {  	v4 =	vmin.u32 v4, $0x11  }
0x18: {  	v15 =	vmul.u32 $0x2E, v4;
	_ =	sdelay $0x5  }
0x19: {  	v4 =	vld.idx.msk [tilespmem:v15+s3+$0x0], $0xffff  }
0x1a: {  	v5 =	vor.u32 $0x1, v15;
	_ =	sdelay $0x3  }
0x1b: {  	[tilespmem:s19+$0x550] =	vst v4  }
0x1c: {  	v4 =	vld.idx.msk [tilespmem:v5+s3+$0x0], $0xffff  }
0x1d: {  	v5 =	vadd.s32 $0x2, v15;
	_ =	sdelay $0x3  }
0x1e: {  	[tilespmem:s19+$0x750] =	vst v4  }
0x1f: {  	v4 =	vld.idx.msk [tilespmem:v5+s3+$0x0], $0xffff  }
0x20: {  	v5 =	vadd.s32 $0x3, v15;
	_ =	sdelay $0x3  }
0x21: {  	[tilespmem:s19+$0x950] =	vst v4  }
0x22: {  	v4 =	vld.idx.msk [tilespmem:v5+s3+$0x0], $0xffff  }
0x23: {  	v5 =	vadd.s32 $0x4, v15;
	_ =	sdelay $0x3  }
0x24: {  	[tilespmem:s19+$0xB50] =	vst v4  }
0x25: {  	v4 =	vld.idx.msk [tilespmem:v5+s3+$0x0], $0xffff  }
0x26: {  	v5 =	vadd.s32 $0x5, v15;
	_ =	sdelay $0x1  }
0x27: {  	s15 =	simm.s32 $0x10  }
0x28: {  	v6 =	vld [tilespmem:s15+$0x350]  }
0x29: {  	[tilespmem:s19+$0xD50] =	vst v4  }
0x2a: {  	v4 =	vld.idx.msk [tilespmem:v5+s3+$0x0], $0xffff  }
0x2b: {  	v5 =	vadd.s32 $0x6, v15;
	_ =	sdelay $0x1  }
0x2c: {  	v6 =	vmin.u32 v6, $0x11  }
0x2d: {  	v6 =	vmul.u32 $0x2E, v6  }
0x2e: {  	[tilespmem:s19+$0xF50] =	vst v4  }
0x2f: {  	v4 =	vld.idx.msk [tilespmem:v5+s3+$0x0], $0xffff  }
0x30: {  	v5 =	vadd.s32 $0x7, v15;
	_ =	sdelay $0x2  }
0x31: {  	v7 =	vld.idx.msk [tilespmem:v6+s3+$0x0], $0xffff  }
0x32: {  	v8 =	vadd.s32 $0x8, v15;
	[tilespmem:s19+$0x1150] =	vst v4;
	v4 =	vor.u32 $0x1, v6  }
0x33: {  	v12 =	vand.u32 $0x6, v15;
	v8 =	vand.u32 $0xFF8, v8;
	v5 =	vld.idx.msk [tilespmem:v5+s3+$0x0], $0xffff  }
0x34: {  	v8 =	vor.u32 v12, v8;
	_ =	sdelay $0x1  }
0x35: {  	[tilespmem:s15+$0x550] =	vst v7  }
0x36: {  	v4 =	vld.idx.msk [tilespmem:v4+s3+$0x0], $0xffff  }
0x37: {  	[tilespmem:s19+$0x1350] =	vst v5;
	v5 =	vadd.s32 $0x2, v6  }
0x38: {  	v7 =	vld.idx.msk [tilespmem:v8+s3+$0x0], $0xffff  }
0x39: {  	v8 =	vadd.s32 $0x9, v15;
	_ =	sdelay $0x1  }
0x3a: {  	[tilespmem:s15+$0x750] =	vst v4  }
0x3b: {  	v4 =	vld.idx.msk [tilespmem:v5+s3+$0x0], $0xffff  }
0x3c: {  	v5 =	vadd.s32 $0x3, v6;
	[tilespmem:s19+$0x1550] =	vst v7  }
0x3d: {  	v7 =	vld.idx.msk [tilespmem:v8+s3+$0x0], $0xffff  }
0x3e: {  	v8 =	vadd.s32 $0xA, v15;
	_ =	sdelay $0x1  }
0x3f: {  	[tilespmem:s15+$0x950] =	vst v4  }
0x40: {  	v4 =	vld.idx.msk [tilespmem:v5+s3+$0x0], $0xffff  }
0x41: {  	v5 =	vadd.s32 $0x4, v6;
	[tilespmem:s19+$0x1750] =	vst v7  }
0x42: {  	v7 =	vld.idx.msk [tilespmem:v8+s3+$0x0], $0xffff  }
0x43: {  	v8 =	vadd.s32 $0xB, v15;
	_ =	sdelay $0x1  }
0x44: {  	[tilespmem:s15+$0xB50] =	vst v4  }
0x45: {  	v4 =	vld.idx.msk [tilespmem:v5+s3+$0x0], $0xffff  }
0x46: {  	v5 =	vadd.s32 $0x5, v6;
	[tilespmem:s19+$0x1950] =	vst v7  }
0x47: {  	v7 =	vld.idx.msk [tilespmem:v8+s3+$0x0], $0xffff  }
0x48: {  	s13 =	simm.s32 $0x20;
	v8 =	vadd.s32 $0xC, v15  }
0x49: {  	v9 =	vld [tilespmem:s13+$0x350]  }
0x4a: {  	[tilespmem:s15+$0xD50] =	vst v4  }
0x4b: {  	v5 =	vld.idx.msk [tilespmem:v5+s3+$0x0], $0xffff  }
0x4c: {  	[tilespmem:s19+$0x1B50] =	vst v7;
	v7 =	vadd.s32 $0x6, v6  }
0x4d: {  	v8 =	vld.idx.msk [tilespmem:v8+s3+$0x0], $0xffff  }
0x4e: {  	v10 =	vadd.s32 $0xD, v15;
	v4 =	vmin.u32 v9, $0x11  }
0x4f: {  	v4 =	vmul.u32 $0x2E, v4  }
0x50: {  	[tilespmem:s15+$0xF50] =	vst v5  }
0x51: {  	v5 =	vld.idx.msk [tilespmem:v7+s3+$0x0], $0xffff  }
0x52: {  	v7 =	vadd.s32 $0x7, v6;
	[tilespmem:s19+$0x1D50] =	vst v8  }
0x53: {  	v8 =	vld.idx.msk [tilespmem:v10+s3+$0x0], $0xffff  }
0x54: {  	v9 =	vadd.s32 $0xE, v15  }
0x55: {  	v10 =	vld.idx.msk [tilespmem:v4+s3+$0x0], $0xffff  }
0x56: {  	v11 =	vadd.s32 $0x8, v6;
	[tilespmem:s15+$0x1150] =	vst v5;
	v5 =	vor.u32 $0x1, v4  }
0x57: {  	v13 =	vand.u32 $0xFF8, v11;
	v11 =	vand.u32 $0x6, v6;
	v7 =	vld.idx.msk [tilespmem:v7+s3+$0x0], $0xffff  }
0x58: {  	[tilespmem:s19+$0x1F50] =	vst v8;
	v8 =	vor.u32 v11, v13  }
0x59: {  	v9 =	vld.idx.msk [tilespmem:v9+s3+$0x0], $0xffff  }
0x5a: {  	[tilespmem:s13+$0x550] =	vst v10;
	v10 =	vadd.s32 $0xF, v15  }
0x5b: {  	v5 =	vld.idx.msk [tilespmem:v5+s3+$0x0], $0xffff  }
0x5c: {  	[tilespmem:s15+$0x1350] =	vst v7;
	v7 =	vadd.s32 $0x2, v4  }
0x5d: {  	v8 =	vld.idx.msk [tilespmem:v8+s3+$0x0], $0xffff  }
0x5e: {  	v13 =	vadd.s32 $0x10, v15;
	[tilespmem:s19+$0x2150] =	vst v9;
	v9 =	vadd.s32 $0x9, v6  }
0x5f: {  	v13 =	vand.u32 $0xFF8, v13;
	v10 =	vld.idx.msk [tilespmem:v10+s3+$0x0], $0xffff  }
0x60: {  	[tilespmem:s13+$0x750] =	vst v5;
	v5 =	vor.u32 v12, v13  }
0x61: {  	v7 =	vld.idx.msk [tilespmem:v7+s3+$0x0], $0xffff  }
0x62: {  	[tilespmem:s15+$0x1550] =	vst v8;
	v8 =	vadd.s32 $0x3, v4  }
0x63: {  	v9 =	vld.idx.msk [tilespmem:v9+s3+$0x0], $0xffff  }
0x64: {  	[tilespmem:s19+$0x2350] =	vst v10;
	v10 =	vadd.s32 $0xA, v6  }
0x65: {  	v5 =	vld.idx.msk [tilespmem:v5+s3+$0x0], $0xffff  }
0x66: {  	[tilespmem:s13+$0x950] =	vst v7;
	v7 =	vadd.s32 $0x11, v15  }
0x67: {  	v8 =	vld.idx.msk [tilespmem:v8+s3+$0x0], $0xffff  }
0x68: {  	[tilespmem:s15+$0x1750] =	vst v9;
	v9 =	vadd.s32 $0x4, v4  }
0x69: {  	v10 =	vld.idx.msk [tilespmem:v10+s3+$0x0], $0xffff  }
0x6a: {  	[tilespmem:s19+$0x2550] =	vst v5;
	v5 =	vadd.s32 $0xB, v6  }
0x6b: {  	v7 =	vld.idx.msk [tilespmem:v7+s3+$0x0], $0xffff  }
0x6c: {  	[tilespmem:s13+$0xB50] =	vst v8;
	v8 =	vadd.s32 $0x12, v15  }
0x6d: {  	v9 =	vld.idx.msk [tilespmem:v9+s3+$0x0], $0xffff  }
0x6e: {  	[tilespmem:s15+$0x1950] =	vst v10;
	v10 =	vadd.s32 $0x5, v4  }
0x6f: {  	v5 =	vld.idx.msk [tilespmem:v5+s3+$0x0], $0xffff  }
0x70: {  	[tilespmem:s19+$0x2750] =	vst v7;
	v7 =	vadd.s32 $0xC, v6  }
0x71: {  	s14 =	simm.s32 $0x30;
	v8 =	vld.idx.msk [tilespmem:v8+s3+$0x0], $0xffff  }
0x72: {  	v13 =	vld [tilespmem:s14+$0x350];
	[tilespmem:s13+$0xD50] =	vst v9;
	v9 =	vadd.s32 $0x13, v15  }
0x73: {  	v10 =	vld.idx.msk [tilespmem:v10+s3+$0x0], $0xffff  }
0x74: {  	v14 =	vadd.s32 $0x6, v4;
	[tilespmem:s15+$0x1B50] =	vst v5  }
0x75: {  	v7 =	vld.idx.msk [tilespmem:v7+s3+$0x0], $0xffff  }
0x76: {  	[tilespmem:s19+$0x2950] =	vst v8;
	v8 =	vadd.s32 $0xD, v6  }
0x77: {  	v5 =	vmin.u32 v13, $0x11;
	v9 =	vld.idx.msk [tilespmem:v9+s3+$0x0], $0xffff  }
0x78: {  	v5 =	vmul.u32 $0x2E, v5;
	[tilespmem:s13+$0xF50] =	vst v10;
	v10 =	vadd.s32 $0x14, v15  }
0x79: {  	v13 =	vld.idx.msk [tilespmem:v14+s3+$0x0], $0xffff  }
0x7a: {  	[tilespmem:s15+$0x1D50] =	vst v7;
	v7 =	vadd.s32 $0x7, v4  }
0x7b: {  	v14 =	vld.idx.msk [tilespmem:v8+s3+$0x0], $0xffff  }
0x7c: {  	[tilespmem:s19+$0x2B50] =	vst v9;
	v9 =	vadd.s32 $0xE, v6  }
0x7d: {  	v10 =	vld.idx.msk [tilespmem:v10+s3+$0x0], $0xffff  }
0x7e: {  	v16 =	vld.idx.msk [tilespmem:v5+s3+$0x0], $0xffff;
	v8 =	vadd.s32 $0x8, v4;
	[tilespmem:s13+$0x1150] =	vst v13;
	v13 =	vadd.s32 $0x15, v15  }
0x7f: {  	v17 =	vor.u32 $0x1, v5;
	v18 =	vand.u32 $0xFF8, v8;
	v8 =	vand.u32 $0x6, v4;
	v7 =	vld.idx.msk [tilespmem:v7+s3+$0x0], $0xffff  }
0x80: {  	[tilespmem:s15+$0x1F50] =	vst v14;
	v14 =	vor.u32 v8, v18  }
0x81: {  	v9 =	vld.idx.msk [tilespmem:v9+s3+$0x0], $0xffff  }
0x82: {  	[tilespmem:s19+$0x2D50] =	vst v10;
	v10 =	vadd.s32 $0xF, v6  }
0x83: {  	[tilespmem:s14+$0x550] =	vst v16;
	v13 =	vld.idx.msk [tilespmem:v13+s3+$0x0], $0xffff  }
0x84: {  	v16 =	vld.idx.msk [tilespmem:v17+s3+$0x0], $0xffff;
	[tilespmem:s13+$0x1350] =	vst v7;
	v7 =	vadd.s32 $0x16, v15  }
0x85: {  	v17 =	vadd.s32 $0x2, v5;
	v14 =	vld.idx.msk [tilespmem:v14+s3+$0x0], $0xffff  }
0x86: {  	v18 =	vadd.s32 $0x10, v6;
	[tilespmem:s15+$0x2150] =	vst v9;
	v9 =	vadd.s32 $0x9, v4  }
0x87: {  	v18 =	vand.u32 $0xFF8, v18;
	v10 =	vld.idx.msk [tilespmem:v10+s3+$0x0], $0xffff  }
0x88: {  	[tilespmem:s19+$0x2F50] =	vst v13;
	v13 =	vor.u32 v11, v18  }
0x89: {  	[tilespmem:s14+$0x750] =	vst v16;
	v7 =	vld.idx.msk [tilespmem:v7+s3+$0x0], $0xffff  }
0x8a: {  	v16 =	vld.idx.msk [tilespmem:v17+s3+$0x0], $0xffff;
	[tilespmem:s13+$0x1550] =	vst v14;
	v14 =	vadd.s32 $0x17, v15  }
0x8b: {  	v17 =	vadd.s32 $0x3, v5;
	v9 =	vld.idx.msk [tilespmem:v9+s3+$0x0], $0xffff  }
0x8c: {  	[tilespmem:s15+$0x2350] =	vst v10;
	v10 =	vadd.s32 $0xA, v4  }
0x8d: {  	v13 =	vld.idx.msk [tilespmem:v13+s3+$0x0], $0xffff  }
0x8e: {  	v18 =	vadd.s32 $0x18, v15;
	[tilespmem:s19+$0x3150] =	vst v7;
	v7 =	vadd.s32 $0x11, v6  }
0x8f: {  	[tilespmem:s14+$0x950] =	vst v16;
	v16 =	vand.u32 $0xFF8, v18;
	v14 =	vld.idx.msk [tilespmem:v14+s3+$0x0], $0xffff  }
0x90: {  	v17 =	vld.idx.msk [tilespmem:v17+s3+$0x0], $0xffff;
	[tilespmem:s13+$0x1750] =	vst v9;
	v9 =	vor.u32 v12, v16  }
0x91: {  	v16 =	vadd.s32 $0x4, v5;
	v10 =	vld.idx.msk [tilespmem:v10+s3+$0x0], $0xffff  }
0x92: {  	[tilespmem:s15+$0x2550] =	vst v13;
	v13 =	vadd.s32 $0xB, v4  }
0x93: {  	v7 =	vld.idx.msk [tilespmem:v7+s3+$0x0], $0xffff  }
0x94: {  	[tilespmem:s19+$0x3350] =	vst v14;
	v14 =	vadd.s32 $0x12, v6  }
0x95: {  	[tilespmem:s14+$0xB50] =	vst v17;
	v9 =	vld.idx.msk [tilespmem:v9+s3+$0x0], $0xffff  }
0x96: {  	v16 =	vld.idx.msk [tilespmem:v16+s3+$0x0], $0xffff;
	[tilespmem:s13+$0x1950] =	vst v10;
	v10 =	vadd.s32 $0x19, v15  }
0x97: {  	v17 =	vadd.s32 $0x5, v5;
	v13 =	vld.idx.msk [tilespmem:v13+s3+$0x0], $0xffff  }
0x98: {  	[tilespmem:s15+$0x2750] =	vst v7;
	v7 =	vadd.s32 $0xC, v4  }
0x99: {  	s16 =	simm.s32 $0x40;
	v14 =	vld.idx.msk [tilespmem:v14+s3+$0x0], $0xffff  }
0x9a: {  	v18 =	vld [tilespmem:s16+$0x350];
	[tilespmem:s19+$0x3550] =	vst v9;
	v9 =	vadd.s32 $0x13, v6  }
0x9b: {  	[tilespmem:s14+$0xD50] =	vst v16;
	v10 =	vld.idx.msk [tilespmem:v10+s3+$0x0], $0xffff  }
0x9c: {  	v16 =	vld.idx.msk [tilespmem:v17+s3+$0x0], $0xffff;
	[tilespmem:s13+$0x1B50] =	vst v13;
	v13 =	vadd.s32 $0x1A, v15  }
0x9d: {  	v17 =	vadd.s32 $0x6, v5;
	v19 =	vld.idx.msk [tilespmem:v7+s3+$0x0], $0xffff  }
0x9e: {  	[tilespmem:s15+$0x2950] =	vst v14;
	v14 =	vadd.s32 $0xD, v4  }
0x9f: {  	v7 =	vmin.u32 v18, $0x11;
	v9 =	vld.idx.msk [tilespmem:v9+s3+$0x0], $0xffff  }
0xa0: {  	v7 =	vmul.u32 $0x2E, v7;
	[tilespmem:s19+$0x3750] =	vst v10;
	v10 =	vadd.s32 $0x14, v6  }
0xa1: {  	[tilespmem:s14+$0xF50] =	vst v16;
	v13 =	vld.idx.msk [tilespmem:v13+s3+$0x0], $0xffff  }
0xa2: {  	v16 =	vld.idx.msk [tilespmem:v17+s3+$0x0], $0xffff;
	v17 =	vadd.s32 $0x1B, v15;
	[tilespmem:s13+$0x1D50] =	vst v19  }
0xa3: {  	v18 =	vadd.s32 $0x7, v5;
	v14 =	vld.idx.msk [tilespmem:v14+s3+$0x0], $0xffff  }
0xa4: {  	[tilespmem:s15+$0x2B50] =	vst v9;
	v9 =	vadd.s32 $0xE, v4  }
0xa5: {  	v19 =	vld.idx.msk [tilespmem:v10+s3+$0x0], $0xffff  }
0xa6: {  	v20 =	vld.idx.msk [tilespmem:v7+s3+$0x0], $0xffff;
	[tilespmem:s19+$0x3950] =	vst v13;
	v13 =	vadd.s32 $0x15, v6  }
0xa7: {  	v10 =	vadd.s32 $0x8, v5;
	[tilespmem:s14+$0x1150] =	vst v16;
	v16 =	vld.idx.msk [tilespmem:v17+s3+$0x0], $0xffff;
	v17 =	vor.u32 $0x1, v7  }
0xa8: {  	v21 =	vand.u32 $0xFF8, v10;
	v10 =	vand.u32 $0x6, v5;
	v18 =	vld.idx.msk [tilespmem:v18+s3+$0x0], $0xffff;
	[tilespmem:s13+$0x1F50] =	vst v14;
	v14 =	vadd.s32 $0x1C, v15  }
0xa9: {  	v21 =	vor.u32 v10, v21;
	v9 =	vld.idx.msk [tilespmem:v9+s3+$0x0], $0xffff  }
0xaa: {  	[tilespmem:s15+$0x2D50] =	vst v19;
	v19 =	vadd.s32 $0xF, v4  }
0xab: {  	[tilespmem:s16+$0x550] =	vst v20;
	v13 =	vld.idx.msk [tilespmem:v13+s3+$0x0], $0xffff  }
0xac: {  	v17 =	vld.idx.msk [tilespmem:v17+s3+$0x0], $0xffff;
	[tilespmem:s19+$0x3B50] =	vst v16;
	v16 =	vadd.s32 $0x16, v6  }
0xad: {  	[tilespmem:s14+$0x1350] =	vst v18;
	v18 =	vadd.s32 $0x2, v7;
	v14 =	vld.idx.msk [tilespmem:v14+s3+$0x0], $0xffff  }
0xae: {  	v20 =	vld.idx.msk [tilespmem:v21+s3+$0x0], $0xffff;
	v21 =	vadd.s32 $0x10, v4;
	[tilespmem:s13+$0x2150] =	vst v9;
	v9 =	vadd.s32 $0x1D, v15  }
0xaf: {  	v22 =	vadd.s32 $0x9, v5;
	v21 =	vand.u32 $0xFF8, v21;
	v19 =	vld.idx.msk [tilespmem:v19+s3+$0x0], $0xffff  }
0xb0: {  	[tilespmem:s15+$0x2F50] =	vst v13;
	v13 =	vor.u32 v8, v21  }
0xb1: {  	[tilespmem:s16+$0x750] =	vst v17;
	v16 =	vld.idx.msk [tilespmem:v16+s3+$0x0], $0xffff  }
0xb2: {  	v17 =	vld.idx.msk [tilespmem:v18+s3+$0x0], $0xffff;
	[tilespmem:s19+$0x3D50] =	vst v14;
	v14 =	vadd.s32 $0x17, v6  }
0xb3: {  	[tilespmem:s14+$0x1550] =	vst v20;
	v18 =	vadd.s32 $0x3, v7;
	v9 =	vld.idx.msk [tilespmem:v9+s3+$0x0], $0xffff  }
0xb4: {  	v20 =	vld.idx.msk [tilespmem:v22+s3+$0x0], $0xffff;
	[tilespmem:s13+$0x2350] =	vst v19;
	v19 =	vadd.s32 $0x1E, v15  }
0xb5: {  	v21 =	vadd.s32 $0xA, v5;
	v13 =	vld.idx.msk [tilespmem:v13+s3+$0x0], $0xffff  }
0xb6: {  	v22 =	vadd.s32 $0x18, v6;
	[tilespmem:s15+$0x3150] =	vst v16;
	v16 =	vadd.s32 $0x11, v4  }
0xb7: {  	[tilespmem:s16+$0x950] =	vst v17;
	v14 =	vld.idx.msk [tilespmem:v14+s3+$0x0], $0xffff;
	v17 =	vand.u32 $0xFF8, v22  }
0xb8: {  	v18 =	vld.idx.msk [tilespmem:v18+s3+$0x0], $0xffff;
	[tilespmem:s19+$0x3F50] =	vst v9;
	v9 =	vor.u32 v11, v17  }
0xb9: {  	[tilespmem:s14+$0x1750] =	vst v20;
	v17 =	vld.idx.msk [tilespmem:v19+s3+$0x0], $0xffff;
	v19 =	vadd.s32 $0x4, v7  }
0xba: {  	v20 =	vld.idx.msk [tilespmem:v21+s3+$0x0], $0xffff;
	[tilespmem:s13+$0x2550] =	vst v13;
	v13 =	vadd.s32 $0x1F, v15  }
0xbb: {  	v21 =	vadd.s32 $0xB, v5;
	v16 =	vld.idx.msk [tilespmem:v16+s3+$0x0], $0xffff  }
0xbc: {  	[tilespmem:s15+$0x3350] =	vst v14;
	v14 =	vadd.s32 $0x12, v4  }
0xbd: {  	[tilespmem:s16+$0xB50] =	vst v18;
	v9 =	vld.idx.msk [tilespmem:v9+s3+$0x0], $0xffff  }
0xbe: {  	v18 =	vld.idx.msk [tilespmem:v19+s3+$0x0], $0xffff;
	[tilespmem:s19+$0x4150] =	vst v17;
	v17 =	vadd.s32 $0x19, v6;
	v19 =	vadd.s32 $0x20, v15  }
0xbf: {  	[tilespmem:s14+$0x1950] =	vst v20;
	v20 =	vadd.s32 $0x5, v7;
	v13 =	vld.idx.msk [tilespmem:v13+s3+$0x0], $0xffff;
	v19 =	vand.u32 $0xFF8, v19  }
0xc0: {  	v21 =	vld.idx.msk [tilespmem:v21+s3+$0x0], $0xffff;
	[tilespmem:s13+$0x2750] =	vst v16;
	v16 =	vor.u32 v12, v19  }
0xc1: {  	s17 =	simm.s32 $0x50;
	v19 =	vadd.s32 $0xC, v5;
	v14 =	vld.idx.msk [tilespmem:v14+s3+$0x0], $0xffff  }
0xc2: {  	v22 =	vld [tilespmem:s17+$0x350];
	[tilespmem:s15+$0x3550] =	vst v9;
	v9 =	vadd.s32 $0x13, v4  }
0xc3: {  	[tilespmem:s16+$0xD50] =	vst v18;
	v17 =	vld.idx.msk [tilespmem:v17+s3+$0x0], $0xffff  }
0xc4: {  	v18 =	vld.idx.msk [tilespmem:v20+s3+$0x0], $0xffff;
	[tilespmem:s19+$0x4350] =	vst v13;
	v13 =	vadd.s32 $0x1A, v6  }
0xc5: {  	[tilespmem:s14+$0x1B50] =	vst v21;
	v20 =	vadd.s32 $0x6, v7;
	v16 =	vld.idx.msk [tilespmem:v16+s3+$0x0], $0xffff  }
0xc6: {  	v21 =	vadd.s32 $0x21, v15;
	v19 =	vld.idx.msk [tilespmem:v19+s3+$0x0], $0xffff;
	[tilespmem:s13+$0x2950] =	vst v14  }
0xc7: {  	s18 =	simm.s32 $0x60;
	v23 =	vadd.s32 $0xD, v5;
	v24 =	vld.idx.msk [tilespmem:v9+s3+$0x0], $0xffff;
	v9 =	vmin.u32 v22, $0x11  }
0xc8: {  	v14 =	vld [tilespmem:s18+$0x350];
	[tilespmem:s15+$0x3750] =	vst v17;
	v9 =	vmul.u32 $0x2E, v9;
	v17 =	vadd.s32 $0x14, v4  }
0xc9: {  	[tilespmem:s16+$0xF50] =	vst v18;
	v13 =	vld.idx.msk [tilespmem:v13+s3+$0x0], $0xffff  }
0xca: {  	v18 =	vld.idx.msk [tilespmem:v20+s3+$0x0], $0xffff;
	[tilespmem:s19+$0x4550] =	vst v16;
	v16 =	vadd.s32 $0x1B, v6  }
0xcb: {  	[tilespmem:s14+$0x1D50] =	vst v19;
	v20 =	vadd.s32 $0x7, v7;
	v19 =	vld.idx.msk [tilespmem:v21+s3+$0x0], $0xffff  }
0xcc: {  	v22 =	vadd.s32 $0x22, v15;
	v21 =	vld.idx.msk [tilespmem:v23+s3+$0x0], $0xffff;
	[tilespmem:s13+$0x2B50] =	vst v24  }
0xcd: {  	v23 =	vadd.s32 $0xE, v5;
	v17 =	vld.idx.msk [tilespmem:v17+s3+$0x0], $0xffff  }
0xce: {  	v25 =	vadd.s32 $0x15, v4;
	v24 =	vld.idx.msk [tilespmem:v9+s3+$0x0], $0xffff;
	[tilespmem:s15+$0x3950] =	vst v13  }
0xcf: {  	v13 =	vadd.s32 $0x8, v7;
	[tilespmem:s16+$0x1150] =	vst v18;
	v16 =	vld.idx.msk [tilespmem:v16+s3+$0x0], $0xffff;
	v18 =	vor.u32 $0x1, v9  }
0xd0: {  	v26 =	vadd.s32 $0x1C, v6;
	v20 =	vld.idx.msk [tilespmem:v20+s3+$0x0], $0xffff;
	[tilespmem:s19+$0x4750] =	vst v19;
	v19 =	vand.u32 $0xFF8, v13;
	v13 =	vand.u32 $0x6, v7  }
0xd1: {  	[tilespmem:s14+$0x1F50] =	vst v21;
	v21 =	vld.idx.msk [tilespmem:v22+s3+$0x0], $0xffff;
	v19 =	vor.u32 v13, v19  }
0xd2: {  	v22 =	vld.idx.msk [tilespmem:v23+s3+$0x0], $0xffff;
	[tilespmem:s13+$0x2D50] =	vst v17;
	v17 =	vadd.s32 $0x23, v15  }
0xd3: {  	v23 =	vadd.s32 $0xF, v5;
	[tilespmem:s17+$0x550] =	vst v24;
	v24 =	vld.idx.msk [tilespmem:v25+s3+$0x0], $0xffff  }
0xd4: {  	v18 =	vld.idx.msk [tilespmem:v18+s3+$0x0], $0xffff;
	[tilespmem:s15+$0x3B50] =	vst v16;
	v16 =	vadd.s32 $0x16, v4  }
0xd5: {  	v25 =	vadd.s32 $0x2, v9;
	[tilespmem:s16+$0x1350] =	vst v20;
	v20 =	vld.idx.msk [tilespmem:v26+s3+$0x0], $0xffff  }
0xd6: {  	v19 =	vld.idx.msk [tilespmem:v19+s3+$0x0], $0xffff;
	[tilespmem:s19+$0x4950] =	vst v21;
	v21 =	vadd.s32 $0x1D, v6  }
0xd7: {  	v26 =	vadd.s32 $0x10, v5;
	[tilespmem:s14+$0x2150] =	vst v22;
	v22 =	vadd.s32 $0x9, v7;
	v17 =	vld.idx.msk [tilespmem:v17+s3+$0x0], $0xffff  }
0xd8: {  	v26 =	vand.u32 $0xFF8, v26;
	v23 =	vld.idx.msk [tilespmem:v23+s3+$0x0], $0xffff;
	[tilespmem:s13+$0x2F50] =	vst v24;
	v24 =	vadd.s32 $0x24, v15  }
0xd9: {  	[tilespmem:s17+$0x750] =	vst v18;
	v18 =	vor.u32 v10, v26;
	v16 =	vld.idx.msk [tilespmem:v16+s3+$0x0], $0xffff  }
0xda: {  	v25 =	vld.idx.msk [tilespmem:v25+s3+$0x0], $0xffff;
	[tilespmem:s15+$0x3D50] =	vst v20;
	v20 =	vadd.s32 $0x17, v4  }
0xdb: {  	[tilespmem:s16+$0x1550] =	vst v19;
	v19 =	vld.idx.msk [tilespmem:v21+s3+$0x0], $0xffff;
	v21 =	vadd.s32 $0x3, v9  }
0xdc: {  	v22 =	vld.idx.msk [tilespmem:v22+s3+$0x0], $0xffff;
	[tilespmem:s19+$0x4B50] =	vst v17;
	v17 =	vadd.s32 $0x1E, v6  }
0xdd: {  	[tilespmem:s14+$0x2350] =	vst v23;
	v23 =	vld.idx.msk [tilespmem:v24+s3+$0x0], $0xffff;
	v24 =	vadd.s32 $0xA, v7  }
0xde: {  	v26 =	vadd.s32 $0x18, v4;
	v18 =	vld.idx.msk [tilespmem:v18+s3+$0x0], $0xffff;
	[tilespmem:s13+$0x3150] =	vst v16;
	v16 =	vadd.s32 $0x25, v15  }
0xdf: {  	v26 =	vand.u32 $0xFF8, v26;
	[tilespmem:s17+$0x950] =	vst v25;
	v25 =	vadd.s32 $0x11, v5;
	v20 =	vld.idx.msk [tilespmem:v20+s3+$0x0], $0xffff  }
0xe0: {  	v21 =	vld.idx.msk [tilespmem:v21+s3+$0x0], $0xffff;
	[tilespmem:s15+$0x3F50] =	vst v19;
	v19 =	vor.u32 v8, v26  }
0xe1: {  	[tilespmem:s16+$0x1750] =	vst v22;
	v17 =	vld.idx.msk [tilespmem:v17+s3+$0x0], $0xffff;
	v22 =	vadd.s32 $0x4, v9  }
0xe2: {  	v24 =	vld.idx.msk [tilespmem:v24+s3+$0x0], $0xffff;
	[tilespmem:s19+$0x4D50] =	vst v23;
	v23 =	vadd.s32 $0x1F, v6  }
0xe3: {  	[tilespmem:s14+$0x2550] =	vst v18;
	v16 =	vld.idx.msk [tilespmem:v16+s3+$0x0], $0xffff;
	v18 =	vadd.s32 $0xB, v7  }
0xe4: {  	v25 =	vld.idx.msk [tilespmem:v25+s3+$0x0], $0xffff;
	[tilespmem:s13+$0x3350] =	vst v20;
	v20 =	vadd.s32 $0x26, v15  }
0xe5: {  	[tilespmem:s17+$0xB50] =	vst v21;
	v21 =	vadd.s32 $0x12, v5;
	v19 =	vld.idx.msk [tilespmem:v19+s3+$0x0], $0xffff  }
0xe6: {  	v26 =	vadd.s32 $0x20, v6;
	v22 =	vld.idx.msk [tilespmem:v22+s3+$0x0], $0xffff;
	[tilespmem:s15+$0x4150] =	vst v17;
	v17 =	vadd.s32 $0x19, v4  }
0xe7: {  	v26 =	vand.u32 $0xFF8, v26;
	[tilespmem:s16+$0x1950] =	vst v24;
	v23 =	vld.idx.msk [tilespmem:v23+s3+$0x0], $0xffff;
	v24 =	vadd.s32 $0x5, v9  }
0xe8: {  	v18 =	vld.idx.msk [tilespmem:v18+s3+$0x0], $0xffff;
	[tilespmem:s19+$0x4F50] =	vst v16;
	v16 =	vor.u32 v11, v26  }
0xe9: {  	[tilespmem:s14+$0x2750] =	vst v25;
	v20 =	vld.idx.msk [tilespmem:v20+s3+$0x0], $0xffff;
	v25 =	vadd.s32 $0xC, v7  }
0xea: {  	v21 =	vld.idx.msk [tilespmem:v21+s3+$0x0], $0xffff;
	[tilespmem:s13+$0x3550] =	vst v19  }
0xeb: {  	v19 =	vadd.s32 $0x27, v15;
	[tilespmem:s17+$0xD50] =	vst v22;
	v17 =	vld.idx.msk [tilespmem:v17+s3+$0x0], $0xffff  }
0xec: {  	v22 =	vadd.s32 $0x13, v5;
	v24 =	vld.idx.msk [tilespmem:v24+s3+$0x0], $0xffff;
	[tilespmem:s15+$0x4350] =	vst v23  }
0xed: {  	[tilespmem:s16+$0x1B50] =	vst v18;
	v18 =	vadd.s32 $0x1A, v4;
	v23 =	vld.idx.msk [tilespmem:v16+s3+$0x0], $0xffff  }
0xee: {  	s20 =	simm.s32 $0x70;
	v26 =	vadd.s32 $0x6, v9;
	v16 =	vadd.s32 $0x28, v15;
	v25 =	vld.idx.msk [tilespmem:v25+s3+$0x0], $0xffff  }
0xef: {  	[tilespmem:s19+$0x5150] =	vst v20;
	v20 =	vadd.s32 $0x21, v6;
	v27 =	vand.u32 $0xFF8, v16;
	v16 =	vld [tilespmem:s20+$0x350]  }
0xf0: {  	[tilespmem:s14+$0x2950] =	vst v21;
	v19 =	vld.idx.msk [tilespmem:v19+s3+$0x0], $0xffff;
	v21 =	vadd.s32 $0xD, v7  }
0xf1: {  	v14 =	vmin.u32 v14, $0x11;
	v22 =	vld.idx.msk [tilespmem:v22+s3+$0x0], $0xffff;
	[tilespmem:s13+$0x3750] =	vst v17;
	v17 =	vor.u32 v12, v27  }
0xf2: {  	v12 =	vmul.u32 $0x2E, v14;
	v14 =	vadd.s32 $0x14, v5;
	[tilespmem:s17+$0xF50] =	vst v24;
	v18 =	vld.idx.msk [tilespmem:v18+s3+$0x0], $0xffff  }
0xf3: {  	v24 =	vld.idx.msk [tilespmem:v26+s3+$0x0], $0xffff;
	[tilespmem:s15+$0x4550] =	vst v23  }
0xf4: {  	v23 =	vadd.s32 $0x1B, v4;
	[tilespmem:s16+$0x1D50] =	vst v25;
	v20 =	vld.idx.msk [tilespmem:v20+s3+$0x0], $0xffff  }
0xf5: {  	v25 =	vadd.s32 $0x7, v9;
	v21 =	vld.idx.msk [tilespmem:v21+s3+$0x0], $0xffff;
	[tilespmem:s19+$0x5350] =	vst v19  }
0xf6: {  	v19 =	vadd.s32 $0x22, v6;
	[tilespmem:s14+$0x2B50] =	vst v22;
	v17 =	vld.idx.msk [tilespmem:v17+s3+$0x0], $0xffff  }
0xf7: {  	v22 =	vadd.s32 $0xE, v7;
	v26 =	vld.idx.msk [tilespmem:v14+s3+$0x0], $0xffff  }
0xf8: {  	v27 =	vld.idx.msk [tilespmem:v12+s3+$0x0], $0xffff;
	[tilespmem:s13+$0x3950] =	vst v18;
	v18 =	vadd.s32 $0x29, v15  }
0xf9: {  	[tilespmem:s17+$0x1150] =	vst v24;
	v24 =	vadd.s32 $0x15, v5;
	v23 =	vld.idx.msk [tilespmem:v23+s3+$0x0], $0xffff  }
0xfa: {  	v28 =	vor.u32 $0x1, v12;
	v14 =	vadd.s32 $0x8, v9;
	v25 =	vld.idx.msk [tilespmem:v25+s3+$0x0], $0xffff;
	[tilespmem:s15+$0x4750] =	vst v20  }
0xfb: {  	v20 =	vand.u32 $0xFF8, v14;
	v14 =	vand.u32 $0x6, v9;
	[tilespmem:s16+$0x1F50] =	vst v21;
	v21 =	vadd.s32 $0x1C, v4;
	v19 =	vld.idx.msk [tilespmem:v19+s3+$0x0], $0xffff  }
0xfc: {  	v20 =	vor.u32 v14, v20;
	v22 =	vld.idx.msk [tilespmem:v22+s3+$0x0], $0xffff;
	[tilespmem:s19+$0x5550] =	vst v17  }
0xfd: {  	v17 =	vadd.s32 $0x23, v6;
	[tilespmem:s14+$0x2D50] =	vst v26;
	v18 =	vld.idx.msk [tilespmem:v18+s3+$0x0], $0xffff  }
0xfe: {  	[tilespmem:s18+$0x550] =	vst v27;
	v26 =	vadd.s32 $0xF, v7;
	v24 =	vld.idx.msk [tilespmem:v24+s3+$0x0], $0xffff  }
0xff: {  	v27 =	vld.idx.msk [tilespmem:v28+s3+$0x0], $0xffff;
	[tilespmem:s13+$0x3B50] =	vst v23;
	v23 =	vadd.s32 $0x2A, v15  }
0x100: {  	[tilespmem:s17+$0x1350] =	vst v25;
	v25 =	vadd.s32 $0x16, v5;
	v21 =	vld.idx.msk [tilespmem:v21+s3+$0x0], $0xffff  }
0x101: {  	v28 =	vadd.s32 $0x2, v12;
	v20 =	vld.idx.msk [tilespmem:v20+s3+$0x0], $0xffff;
	[tilespmem:s15+$0x4950] =	vst v19  }
0x102: {  	v19 =	vadd.s32 $0x1D, v4;
	[tilespmem:s16+$0x2150] =	vst v22;
	v17 =	vld.idx.msk [tilespmem:v17+s3+$0x0], $0xffff  }
0x103: {  	v29 =	vadd.s32 $0x10, v7;
	v22 =	vadd.s32 $0x9, v9;
	v26 =	vld.idx.msk [tilespmem:v26+s3+$0x0], $0xffff;
	[tilespmem:s19+$0x5750] =	vst v18  }
0x104: {  	v18 =	vand.u32 $0xFF8, v29;
	[tilespmem:s14+$0x2F50] =	vst v24;
	v24 =	vadd.s32 $0x24, v6;
	v23 =	vld.idx.msk [tilespmem:v23+s3+$0x0], $0xffff  }
0x105: {  	[tilespmem:s18+$0x750] =	vst v27;
	v18 =	vor.u32 v13, v18;
	v25 =	vld.idx.msk [tilespmem:v25+s3+$0x0], $0xffff  }
0x106: {  	v27 =	vld.idx.msk [tilespmem:v28+s3+$0x0], $0xffff;
	[tilespmem:s13+$0x3D50] =	vst v21;
	v21 =	vadd.s32 $0x2B, v15  }
0x107: {  	[tilespmem:s17+$0x1550] =	vst v20;
	v20 =	vadd.s32 $0x17, v5;
	v19 =	vld.idx.msk [tilespmem:v19+s3+$0x0], $0xffff  }
0x108: {  	v28 =	vadd.s32 $0x3, v12;
	v22 =	vld.idx.msk [tilespmem:v22+s3+$0x0], $0xffff;
	[tilespmem:s15+$0x4B50] =	vst v17  }
0x109: {  	v17 =	vadd.s32 $0x1E, v4;
	[tilespmem:s16+$0x2350] =	vst v26;
	v24 =	vld.idx.msk [tilespmem:v24+s3+$0x0], $0xffff  }
0x10a: {  	v26 =	vadd.s32 $0xA, v9;
	v18 =	vld.idx.msk [tilespmem:v18+s3+$0x0], $0xffff;
	[tilespmem:s19+$0x5950] =	vst v23  }
0x10b: {  	[tilespmem:s14+$0x3150] =	vst v25;
	v23 =	vadd.s32 $0x25, v6;
	v21 =	vld.idx.msk [tilespmem:v21+s3+$0x0], $0xffff  }
0x10c: {  	[tilespmem:s18+$0x950] =	vst v27;
	v25 =	vadd.s32 $0x11, v7;
	v27 =	vadd.s32 $0x18, v5;
	v20 =	vld.idx.msk [tilespmem:v20+s3+$0x0], $0xffff  }
0x10d: {  	v28 =	vld.idx.msk [tilespmem:v28+s3+$0x0], $0xffff;
	v27 =	vand.u32 $0xFF8, v27;
	[tilespmem:s13+$0x3F50] =	vst v19;
	v19 =	vadd.s32 $0x2C, v15  }
0x10e: {  	[tilespmem:s17+$0x1750] =	vst v22;
	v22 =	vor.u32 v10, v27;
	v17 =	vld.idx.msk [tilespmem:v17+s3+$0x0], $0xffff  }
0x10f: {  	v27 =	vadd.s32 $0x4, v12;
	v26 =	vld.idx.msk [tilespmem:v26+s3+$0x0], $0xffff;
	[tilespmem:s15+$0x4D50] =	vst v24  }
0x110: {  	v24 =	vadd.s32 $0xB, v9;
	[tilespmem:s16+$0x2550] =	vst v18;
	v23 =	vld.idx.msk [tilespmem:v23+s3+$0x0], $0xffff  }
0x111: {  	v18 =	vadd.s32 $0x1F, v4;
	v25 =	vld.idx.msk [tilespmem:v25+s3+$0x0], $0xffff;
	[tilespmem:s19+$0x5B50] =	vst v21  }
0x112: {  	[tilespmem:s14+$0x3350] =	vst v20;
	v20 =	vadd.s32 $0x26, v6;
	v19 =	vld.idx.msk [tilespmem:v19+s3+$0x0], $0xffff  }
0x113: {  	[tilespmem:s18+$0xB50] =	vst v28;
	v21 =	vadd.s32 $0x12, v7;
	v28 =	vld.idx.msk [tilespmem:v22+s3+$0x0], $0xffff  }
0x114: {  	v15 =	vadd.s32 $0x2D, v15;
	v29 =	vld.idx.msk [tilespmem:v27+s3+$0x0], $0xffff;
	[tilespmem:s17+$0x1950] =	vst v26  }
0x115: {  	v30 =	vadd.s32 $0x19, v5;
	[tilespmem:s13+$0x4150] =	vst v17;
	v17 =	vadd.s32 $0x20, v4;
	v26 =	vld.idx.msk [tilespmem:v24+s3+$0x0], $0xffff  }
0x116: {  	v22 =	vld.idx.msk [tilespmem:v18+s3+$0x0], $0xffff;
	[tilespmem:s15+$0x4F50] =	vst v23;
	v18 =	vand.u32 $0xFF8, v17;
	v17 =	vadd.s32 $0x5, v12  }
0x117: {  	[tilespmem:s16+$0x2750] =	vst v25;
	v20 =	vld.idx.msk [tilespmem:v20+s3+$0x0], $0xffff;
	v23 =	vor.u32 v8, v18  }
0x118: {  	v27 =	vadd.s32 $0xC, v9;
	v24 =	vld.idx.msk [tilespmem:v21+s3+$0x0], $0xffff;
	[tilespmem:s19+$0x5D50] =	vst v19  }
0x119: {  	v18 =	vadd.s32 $0x27, v6;
	[tilespmem:s14+$0x3550] =	vst v28;
	v21 =	vld.idx.msk [tilespmem:v15+s3+$0x0], $0xffff  }
0x11a: {  	s21 =	simm.s32 $0x200;
	v25 =	vadd.s32 $0x13, v7;
	[tilespmem:s18+$0xD50] =	vst v29;
	v19 =	vld.idx.msk [tilespmem:v30+s3+$0x0], $0xffff  }
.LBB2_2:
0x11b: {  	p0 =	sne.s32 s21, $0x7C0;
	v17 =	vld.idx.msk [tilespmem:v17+s3+$0x0], $0xffff;
	[tilespmem:s13+$0x4350] =	vst v22  }
0x11c: {  	v22 =	vadd.s32 $0x1A, v5;
	[tilespmem:s17+$0x1B50] =	vst v26;
	v23 =	vld.idx.msk [tilespmem:v23+s3+$0x0], $0xffff  }
0x11d: {  	v26 =	vadd.s32 $0x6, v12;
	v27 =	vld.idx.msk [tilespmem:v27+s3+$0x0], $0xffff;
	[tilespmem:s15+$0x5150] =	vst v20  }
0x11e: {  	v15 =	vadd.s32 $0x28, v6;
	v20 =	vadd.s32 $0x21, v4;
	[tilespmem:s16+$0x2950] =	vst v24;
	v18 =	vld.idx.msk [tilespmem:v18+s3+$0x0], $0xffff  }
0x11f: {  	s22 =	sshra.s32 s21, $0x2;
	v15 =	vand.u32 $0xFF8, v15;
	v24 =	vadd.s32 $0xD, v9;
	v25 =	vld.idx.msk [tilespmem:v25+s3+$0x0], $0xffff;
	[tilespmem:s19+$0x5F50] =	vst v21;
	s19 =	smov.u32 s15;
	s15 =	smov.u32 s13  }
0x120: {  	v21 =	vmin.u32 v16, $0x11;
	s13 =	smov.u32 s14;
	v16 =	vld [tilespmem:s22+$0x350];
	[tilespmem:s14+$0x3750] =	vst v19;
	v19 =	vor.u32 v11, v15;
	v11 =	vmovc v8;
	v8 =	vmovc v10;
	v10 =	vmov v13;
	s14 =	smov.u32 s16;
	s16 =	smov.u32 s17  }
0x121: {  	v15 =	vmul.u32 $0x2E, v21;
	v13 =	vmov v14;
	s17 =	smov.u32 s18;
	[tilespmem:s18+$0xF50] =	vst v17;
	v17 =	vadd.s32 $0x14, v7;
	v21 =	vld.idx.msk [tilespmem:v22+s3+$0x0], $0xffff;
	s18 =	smov.u32 s20;
	s20 =	smov.u32 s22  }
0x122: {  	v14 =	vld.idx.msk [tilespmem:v26+s3+$0x0], $0xffff;
	[tilespmem:s15+$0x4550] =	vst v23  }
0x123: {  	v22 =	vadd.s32 $0x1B, v5;
	[tilespmem:s16+$0x1D50] =	vst v27;
	v20 =	vld.idx.msk [tilespmem:v20+s3+$0x0], $0xffff  }
0x124: {  	v23 =	vadd.s32 $0x7, v12;
	v24 =	vld.idx.msk [tilespmem:v24+s3+$0x0], $0xffff;
	[tilespmem:s19+$0x5350] =	vst v18  }
0x125: {  	v18 =	vadd.s32 $0x22, v4;
	[tilespmem:s14+$0x2B50] =	vst v25;
	v19 =	vld.idx.msk [tilespmem:v19+s3+$0x0], $0xffff  }
0x126: {  	v25 =	vadd.s32 $0xE, v9;
	v17 =	vld.idx.msk [tilespmem:v17+s3+$0x0], $0xffff  }
0x127: {  	v26 =	vld.idx.msk [tilespmem:v15+s3+$0x0], $0xffff;
	[tilespmem:s13+$0x3950] =	vst v21;
	v21 =	vadd.s32 $0x29, v6  }
0x128: {  	v27 =	vadd.s32 $0x15, v7;
	[tilespmem:s17+$0x1150] =	vst v14;
	v22 =	vld.idx.msk [tilespmem:v22+s3+$0x0], $0xffff  }
0x129: {  	v28 =	vor.u32 $0x1, v15;
	v14 =	vadd.s32 $0x8, v12;
	v23 =	vld.idx.msk [tilespmem:v23+s3+$0x0], $0xffff;
	[tilespmem:s15+$0x4750] =	vst v20  }
0x12a: {  	v20 =	vand.u32 $0xFF8, v14;
	v14 =	vand.u32 $0x6, v12;
	[tilespmem:s16+$0x1F50] =	vst v24;
	v24 =	vadd.s32 $0x1C, v5;
	v18 =	vld.idx.msk [tilespmem:v18+s3+$0x0], $0xffff  }
0x12b: {  	v20 =	vor.u32 v14, v20;
	v25 =	vld.idx.msk [tilespmem:v25+s3+$0x0], $0xffff;
	[tilespmem:s19+$0x5550] =	vst v19  }
0x12c: {  	[tilespmem:s14+$0x2D50] =	vst v17;
	v17 =	vadd.s32 $0x23, v4;
	v19 =	vld.idx.msk [tilespmem:v21+s3+$0x0], $0xffff  }
0x12d: {  	v21 =	vadd.s32 $0xF, v9;
	[tilespmem:s18+$0x550] =	vst v26;
	v26 =	vld.idx.msk [tilespmem:v27+s3+$0x0], $0xffff  }
0x12e: {  	v27 =	vld.idx.msk [tilespmem:v28+s3+$0x0], $0xffff;
	[tilespmem:s13+$0x3B50] =	vst v22;
	v22 =	vadd.s32 $0x2A, v6  }
0x12f: {  	[tilespmem:s17+$0x1350] =	vst v23;
	v23 =	vadd.s32 $0x16, v7;
	v24 =	vld.idx.msk [tilespmem:v24+s3+$0x0], $0xffff  }
0x130: {  	v28 =	vadd.s32 $0x2, v15;
	v20 =	vld.idx.msk [tilespmem:v20+s3+$0x0], $0xffff;
	[tilespmem:s15+$0x4950] =	vst v18  }
0x131: {  	v18 =	vadd.s32 $0x1D, v5;
	[tilespmem:s16+$0x2150] =	vst v25;
	v17 =	vld.idx.msk [tilespmem:v17+s3+$0x0], $0xffff  }
0x132: {  	v29 =	vadd.s32 $0x10, v9;
	v25 =	vadd.s32 $0x9, v12;
	v21 =	vld.idx.msk [tilespmem:v21+s3+$0x0], $0xffff;
	[tilespmem:s19+$0x5750] =	vst v19  }
0x133: {  	v19 =	vand.u32 $0xFF8, v29;
	[tilespmem:s14+$0x2F50] =	vst v26;
	v26 =	vadd.s32 $0x24, v4;
	v22 =	vld.idx.msk [tilespmem:v22+s3+$0x0], $0xffff  }
0x134: {  	v19 =	vor.u32 v13, v19;
	[tilespmem:s18+$0x750] =	vst v27;
	v23 =	vld.idx.msk [tilespmem:v23+s3+$0x0], $0xffff  }
0x135: {  	v27 =	vld.idx.msk [tilespmem:v28+s3+$0x0], $0xffff;
	[tilespmem:s13+$0x3D50] =	vst v24;
	v24 =	vadd.s32 $0x2B, v6  }
0x136: {  	[tilespmem:s17+$0x1550] =	vst v20;
	v20 =	vadd.s32 $0x17, v7;
	v18 =	vld.idx.msk [tilespmem:v18+s3+$0x0], $0xffff  }
0x137: {  	v28 =	vadd.s32 $0x3, v15;
	v25 =	vld.idx.msk [tilespmem:v25+s3+$0x0], $0xffff;
	[tilespmem:s15+$0x4B50] =	vst v17  }
0x138: {  	v17 =	vadd.s32 $0x1E, v5;
	[tilespmem:s16+$0x2350] =	vst v21;
	v21 =	vld.idx.msk [tilespmem:v26+s3+$0x0], $0xffff  }
0x139: {  	v26 =	vadd.s32 $0xA, v12;
	v19 =	vld.idx.msk [tilespmem:v19+s3+$0x0], $0xffff;
	[tilespmem:s19+$0x5950] =	vst v22  }
0x13a: {  	v22 =	vadd.s32 $0x25, v4;
	[tilespmem:s14+$0x3150] =	vst v23;
	v23 =	vld.idx.msk [tilespmem:v24+s3+$0x0], $0xffff  }
0x13b: {  	v24 =	vadd.s32 $0x11, v9;
	[tilespmem:s18+$0x950] =	vst v27;
	v20 =	vld.idx.msk [tilespmem:v20+s3+$0x0], $0xffff;
	v27 =	vadd.s32 $0x18, v7  }
0x13c: {  	v28 =	vld.idx.msk [tilespmem:v28+s3+$0x0], $0xffff;
	v27 =	vand.u32 $0xFF8, v27;
	[tilespmem:s13+$0x3F50] =	vst v18;
	v18 =	vadd.s32 $0x2C, v6  }
0x13d: {  	[tilespmem:s17+$0x1750] =	vst v25;
	v25 =	vor.u32 v10, v27;
	v17 =	vld.idx.msk [tilespmem:v17+s3+$0x0], $0xffff  }
0x13e: {  	v27 =	vadd.s32 $0x4, v15;
	v26 =	vld.idx.msk [tilespmem:v26+s3+$0x0], $0xffff;
	[tilespmem:s15+$0x4D50] =	vst v21  }
0x13f: {  	[tilespmem:s16+$0x2550] =	vst v19;
	v19 =	vadd.s32 $0x1F, v5;
	v21 =	vld.idx.msk [tilespmem:v22+s3+$0x0], $0xffff  }
0x140: {  	v29 =	vadd.s32 $0xB, v12;
	v24 =	vld.idx.msk [tilespmem:v24+s3+$0x0], $0xffff;
	[tilespmem:s19+$0x5B50] =	vst v23  }
0x141: {  	[tilespmem:s14+$0x3350] =	vst v20;
	v20 =	vadd.s32 $0x26, v4;
	v18 =	vld.idx.msk [tilespmem:v18+s3+$0x0], $0xffff  }
0x142: {  	[tilespmem:s18+$0xB50] =	vst v28;
	v28 =	vadd.s32 $0x12, v9;
	v25 =	vld.idx.msk [tilespmem:v25+s3+$0x0], $0xffff  }
0x143: {  	v31 =	vadd.s32 $0x2D, v6;
	v6 =	vmovc v4;
	v4 =	vmovc v5;
	v5 =	vmov v7;
	v7 =	vmov v9;
	v30 =	vld.idx.msk [tilespmem:v27+s3+$0x0], $0xffff;
	[tilespmem:s13+$0x4150] =	vst v17  }
0x144: {  	v32 =	vadd.s32 $0x19, v5;
	v9 =	vmovc v12;
	v12 =	vmov v15;
	[tilespmem:s17+$0x1950] =	vst v26;
	v22 =	vld.idx.msk [tilespmem:v19+s3+$0x0], $0xffff;
	v19 =	vadd.s32 $0x20, v4  }
.Ltmp0:
0x145: {  	v17 =	vadd.s32 $0x5, v12;
	v26 =	vld.idx.msk [tilespmem:v29+s3+$0x0], $0xffff;
	v15 =	vand.u32 $0xFF8, v19;
	[tilespmem:s15+$0x4F50] =	vst v21;
	(pc) =	sbr.rel @p0 .LBB2_2-.Ltmp0, $4  }
0x146: {  	[tilespmem:s16+$0x2750] =	vst v24;
	v23 =	vor.u32 v8, v15;
	v20 =	vld.idx.msk [tilespmem:v20+s3+$0x0], $0xffff  }
0x147: {  	v27 =	vadd.s32 $0xC, v9;
	v24 =	vld.idx.msk [tilespmem:v28+s3+$0x0], $0xffff;
	[tilespmem:s19+$0x5D50] =	vst v18  }
0x148: {  	v18 =	vadd.s32 $0x27, v6;
	[tilespmem:s14+$0x3550] =	vst v25;
	v21 =	vld.idx.msk [tilespmem:v31+s3+$0x0], $0xffff  }
0x149: {  	s21 =	sadd.s32 $0x40, s21;
	v25 =	vadd.s32 $0x13, v7;
	[tilespmem:s18+$0xD50] =	vst v30;
	v19 =	vld.idx.msk [tilespmem:v32+s3+$0x0], $0xffff  }
0x14a: {  	v15 =	vmin.u32 v16, $0x11  }
0x14b: {  	v15 =	vmul.u32 $0x2E, v15;
	_ =	sdelay $0x5  }
0x14c: {  	v52 =	vld.idx.msk [tilespmem:v15+s3+$0x0], $0xffff  }
0x14d: {  	v28 =	vor.u32 $0x1, v15;
	_ =	sdelay $0x3  }
0x14e: {  	[tilespmem:s20+$0x550] =	vst v52  }
0x14f: {  	v16 =	vld.idx.msk [tilespmem:v28+s3+$0x0], $0xffff  }
0x150: {  	v53 =	vadd.s32 $0x2, v15;
	_ =	sdelay $0x3  }
0x151: {  	[tilespmem:s20+$0x750] =	vst v16  }
0x152: {  	v16 =	vld.idx.msk [tilespmem:v53+s3+$0x0], $0xffff  }
0x153: {  	v54 =	vadd.s32 $0x3, v15;
	_ =	sdelay $0x3  }
0x154: {  	[tilespmem:s20+$0x950] =	vst v16  }
0x155: {  	v16 =	vld.idx.msk [tilespmem:v54+s3+$0x0], $0xffff  }
0x156: {  	v55 =	vadd.s32 $0x4, v15;
	_ =	sdelay $0x3  }
0x157: {  	[tilespmem:s20+$0xB50] =	vst v16  }
0x158: {  	v16 =	vld.idx.msk [tilespmem:v55+s3+$0x0], $0xffff  }
0x159: {  	v56 =	vadd.s32 $0x5, v15;
	_ =	sdelay $0x3  }
0x15a: {  	v17 =	vld.idx.msk [tilespmem:v17+s3+$0x0], $0xffff;
	[tilespmem:s20+$0xD50] =	vst v16  }
0x15b: {  	v57 =	vadd.s32 $0x6, v12;
	v28 =	vld.idx.msk [tilespmem:v56+s3+$0x0], $0xffff  }
0x15c: {  	v29 =	vadd.s32 $0x6, v15;
	_ =	sdelay $0x2  }
0x15d: {  	[tilespmem:s18+$0xF50] =	vst v17  }
0x15e: {  	v16 =	vld.idx.msk [tilespmem:v57+s3+$0x0], $0xffff;
	[tilespmem:s20+$0xF50] =	vst v28  }
0x15f: {  	v58 =	vadd.s32 $0x7, v12;
	v28 =	vld.idx.msk [tilespmem:v29+s3+$0x0], $0xffff  }
0x160: {  	v59 =	vadd.s32 $0x7, v15;
	_ =	sdelay $0x2  }
0x161: {  	v60 =	vadd.s32 $0x8, v12;
	[tilespmem:s18+$0x1150] =	vst v16  }
0x162: {  	v61 =	vand.u32 $0xFF8, v60;
	v62 =	vadd.s32 $0x8, v15;
	v16 =	vand.u32 $0x6, v12;
	v30 =	vld.idx.msk [tilespmem:v58+s3+$0x0], $0xffff;
	[tilespmem:s20+$0x1150] =	vst v28  }
0x163: {  	v17 =	vand.u32 $0x6, v15;
	v31 =	vor.u32 v16, v61;
	v28 =	vand.u32 $0xFF8, v62;
	v29 =	vld.idx.msk [tilespmem:v59+s3+$0x0], $0xffff  }
0x164: {  	v28 =	vor.u32 v17, v28;
	_ =	sdelay $0x2  }
0x165: {  	[tilespmem:s18+$0x1350] =	vst v30  }
0x166: {  	v30 =	vld.idx.msk [tilespmem:v31+s3+$0x0], $0xffff;
	[tilespmem:s20+$0x1350] =	vst v29  }
0x167: {  	v63 =	vadd.s32 $0x9, v12;
	v28 =	vld.idx.msk [tilespmem:v28+s3+$0x0], $0xffff  }
0x168: {  	v33 =	vadd.s32 $0x9, v15;
	_ =	sdelay $0x2  }
0x169: {  	[tilespmem:s18+$0x1550] =	vst v30  }
0x16a: {  	v29 =	vld.idx.msk [tilespmem:v63+s3+$0x0], $0xffff;
	[tilespmem:s20+$0x1550] =	vst v28  }
0x16b: {  	v34 =	vadd.s32 $0xA, v12;
	v35 =	vld.idx.msk [tilespmem:v33+s3+$0x0], $0xffff  }
0x16c: {  	v36 =	vadd.s32 $0xA, v15;
	_ =	sdelay $0x2  }
0x16d: {  	[tilespmem:s18+$0x1750] =	vst v29  }
0x16e: {  	v28 =	vld.idx.msk [tilespmem:v34+s3+$0x0], $0xffff;
	[tilespmem:s20+$0x1750] =	vst v35  }
0x16f: {  	v37 =	vadd.s32 $0xB, v12;
	v30 =	vld.idx.msk [tilespmem:v36+s3+$0x0], $0xffff  }
0x170: {  	v38 =	vadd.s32 $0xB, v15;
	_ =	sdelay $0x2  }
0x171: {  	[tilespmem:s18+$0x1950] =	vst v28  }
0x172: {  	v28 =	vld.idx.msk [tilespmem:v37+s3+$0x0], $0xffff;
	[tilespmem:s20+$0x1950] =	vst v30  }
0x173: {  	v39 =	vadd.s32 $0xC, v12;
	v30 =	vld.idx.msk [tilespmem:v38+s3+$0x0], $0xffff  }
0x174: {  	v40 =	vadd.s32 $0xC, v15  }
0x175: {  	[tilespmem:s17+$0x1B50] =	vst v26  }
0x176: {  	v26 =	vld.idx.msk [tilespmem:v27+s3+$0x0], $0xffff  }
0x177: {  	v41 =	vadd.s32 $0xD, v9;
	[tilespmem:s18+$0x1B50] =	vst v28  }
0x178: {  	v28 =	vld.idx.msk [tilespmem:v39+s3+$0x0], $0xffff;
	[tilespmem:s20+$0x1B50] =	vst v30  }
0x179: {  	v42 =	vadd.s32 $0xD, v12;
	v30 =	vld.idx.msk [tilespmem:v40+s3+$0x0], $0xffff  }
0x17a: {  	v43 =	vadd.s32 $0xD, v15  }
0x17b: {  	[tilespmem:s17+$0x1D50] =	vst v26  }
0x17c: {  	v26 =	vld.idx.msk [tilespmem:v41+s3+$0x0], $0xffff  }
0x17d: {  	v44 =	vadd.s32 $0xE, v9;
	[tilespmem:s18+$0x1D50] =	vst v28  }
0x17e: {  	v28 =	vld.idx.msk [tilespmem:v42+s3+$0x0], $0xffff;
	[tilespmem:s20+$0x1D50] =	vst v30  }
0x17f: {  	v45 =	vadd.s32 $0xE, v12;
	v30 =	vld.idx.msk [tilespmem:v43+s3+$0x0], $0xffff  }
0x180: {  	v46 =	vadd.s32 $0xE, v15  }
0x181: {  	[tilespmem:s17+$0x1F50] =	vst v26  }
0x182: {  	v26 =	vld.idx.msk [tilespmem:v44+s3+$0x0], $0xffff  }
0x183: {  	v47 =	vadd.s32 $0xF, v9;
	[tilespmem:s18+$0x1F50] =	vst v28  }
0x184: {  	v28 =	vld.idx.msk [tilespmem:v45+s3+$0x0], $0xffff;
	[tilespmem:s20+$0x1F50] =	vst v30  }
0x185: {  	v48 =	vadd.s32 $0xF, v12;
	v30 =	vld.idx.msk [tilespmem:v46+s3+$0x0], $0xffff  }
0x186: {  	v49 =	vadd.s32 $0xF, v15  }
0x187: {  	v50 =	vadd.s32 $0x10, v9;
	[tilespmem:s17+$0x2150] =	vst v26  }
0x188: {  	v26 =	vand.u32 $0xFF8, v50;
	v27 =	vld.idx.msk [tilespmem:v47+s3+$0x0], $0xffff  }
0x189: {  	v51 =	vadd.s32 $0x10, v12;
	v26 =	vor.u32 v14, v26;
	[tilespmem:s18+$0x2150] =	vst v28  }
0x18a: {  	v52 =	vadd.s32 $0x10, v15;
	v28 =	vand.u32 $0xFF8, v51;
	v29 =	vld.idx.msk [tilespmem:v48+s3+$0x0], $0xffff;
	[tilespmem:s20+$0x2150] =	vst v30  }
0x18b: {  	v28 =	vor.u32 v16, v28;
	v30 =	vand.u32 $0xFF8, v52;
	v31 =	vld.idx.msk [tilespmem:v49+s3+$0x0], $0xffff  }
0x18c: {  	v30 =	vor.u32 v17, v30  }
0x18d: {  	[tilespmem:s17+$0x2350] =	vst v27  }
0x18e: {  	v26 =	vld.idx.msk [tilespmem:v26+s3+$0x0], $0xffff  }
0x18f: {  	v53 =	vadd.s32 $0x11, v9;
	[tilespmem:s18+$0x2350] =	vst v29  }
0x190: {  	v28 =	vld.idx.msk [tilespmem:v28+s3+$0x0], $0xffff;
	[tilespmem:s20+$0x2350] =	vst v31  }
0x191: {  	v54 =	vadd.s32 $0x11, v12;
	v30 =	vld.idx.msk [tilespmem:v30+s3+$0x0], $0xffff  }
0x192: {  	v55 =	vadd.s32 $0x11, v15  }
0x193: {  	[tilespmem:s17+$0x2550] =	vst v26  }
0x194: {  	v26 =	vld.idx.msk [tilespmem:v53+s3+$0x0], $0xffff  }
0x195: {  	v56 =	vadd.s32 $0x12, v9;
	[tilespmem:s18+$0x2550] =	vst v28  }
0x196: {  	v28 =	vld.idx.msk [tilespmem:v54+s3+$0x0], $0xffff;
	[tilespmem:s20+$0x2550] =	vst v30  }
0x197: {  	v57 =	vadd.s32 $0x12, v12;
	v30 =	vld.idx.msk [tilespmem:v55+s3+$0x0], $0xffff  }
0x198: {  	v58 =	vadd.s32 $0x12, v15  }
0x199: {  	[tilespmem:s17+$0x2750] =	vst v26  }
0x19a: {  	v26 =	vld.idx.msk [tilespmem:v56+s3+$0x0], $0xffff  }
0x19b: {  	v59 =	vadd.s32 $0x13, v9;
	[tilespmem:s18+$0x2750] =	vst v28  }
0x19c: {  	v28 =	vld.idx.msk [tilespmem:v57+s3+$0x0], $0xffff;
	[tilespmem:s20+$0x2750] =	vst v30  }
0x19d: {  	v60 =	vadd.s32 $0x13, v12;
	v30 =	vld.idx.msk [tilespmem:v58+s3+$0x0], $0xffff  }
0x19e: {  	[tilespmem:s16+$0x2950] =	vst v24;
	v61 =	vadd.s32 $0x13, v15  }
0x19f: {  	v24 =	vld.idx.msk [tilespmem:v25+s3+$0x0], $0xffff;
	[tilespmem:s17+$0x2950] =	vst v26  }
0x1a0: {  	v62 =	vadd.s32 $0x14, v7;
	v26 =	vld.idx.msk [tilespmem:v59+s3+$0x0], $0xffff  }
0x1a1: {  	v63 =	vadd.s32 $0x14, v9;
	[tilespmem:s18+$0x2950] =	vst v28  }
0x1a2: {  	v28 =	vld.idx.msk [tilespmem:v60+s3+$0x0], $0xffff;
	[tilespmem:s20+$0x2950] =	vst v30  }
0x1a3: {  	v33 =	vadd.s32 $0x14, v12;
	v30 =	vld.idx.msk [tilespmem:v61+s3+$0x0], $0xffff  }
0x1a4: {  	[tilespmem:s16+$0x2B50] =	vst v24;
	v34 =	vadd.s32 $0x14, v15  }
0x1a5: {  	v24 =	vld.idx.msk [tilespmem:v62+s3+$0x0], $0xffff;
	[tilespmem:s17+$0x2B50] =	vst v26  }
0x1a6: {  	v26 =	vld.idx.msk [tilespmem:v63+s3+$0x0], $0xffff;
	v35 =	vadd.s32 $0x15, v7  }
0x1a7: {  	v36 =	vadd.s32 $0x15, v9;
	[tilespmem:s18+$0x2B50] =	vst v28  }
0x1a8: {  	v28 =	vld.idx.msk [tilespmem:v33+s3+$0x0], $0xffff;
	[tilespmem:s20+$0x2B50] =	vst v30  }
0x1a9: {  	v37 =	vadd.s32 $0x15, v12;
	v30 =	vld.idx.msk [tilespmem:v34+s3+$0x0], $0xffff  }
0x1aa: {  	[tilespmem:s16+$0x2D50] =	vst v24;
	v38 =	vadd.s32 $0x15, v15  }
0x1ab: {  	[tilespmem:s17+$0x2D50] =	vst v26;
	v24 =	vld.idx.msk [tilespmem:v35+s3+$0x0], $0xffff  }
0x1ac: {  	v39 =	vadd.s32 $0x16, v7;
	v26 =	vld.idx.msk [tilespmem:v36+s3+$0x0], $0xffff  }
0x1ad: {  	v40 =	vadd.s32 $0x16, v9;
	[tilespmem:s18+$0x2D50] =	vst v28  }
0x1ae: {  	v28 =	vld.idx.msk [tilespmem:v37+s3+$0x0], $0xffff;
	[tilespmem:s20+$0x2D50] =	vst v30  }
0x1af: {  	v41 =	vadd.s32 $0x16, v12;
	v30 =	vld.idx.msk [tilespmem:v38+s3+$0x0], $0xffff  }
0x1b0: {  	[tilespmem:s16+$0x2F50] =	vst v24;
	v42 =	vadd.s32 $0x16, v15  }
0x1b1: {  	v24 =	vld.idx.msk [tilespmem:v39+s3+$0x0], $0xffff;
	[tilespmem:s17+$0x2F50] =	vst v26  }
0x1b2: {  	v26 =	vld.idx.msk [tilespmem:v40+s3+$0x0], $0xffff;
	v43 =	vadd.s32 $0x17, v7  }
0x1b3: {  	v44 =	vadd.s32 $0x17, v9;
	[tilespmem:s18+$0x2F50] =	vst v28  }
0x1b4: {  	v28 =	vld.idx.msk [tilespmem:v41+s3+$0x0], $0xffff;
	[tilespmem:s20+$0x2F50] =	vst v30  }
0x1b5: {  	v45 =	vadd.s32 $0x17, v12;
	v30 =	vld.idx.msk [tilespmem:v42+s3+$0x0], $0xffff  }
0x1b6: {  	v47 =	vadd.s32 $0x18, v7;
	[tilespmem:s16+$0x3150] =	vst v24;
	v46 =	vadd.s32 $0x17, v15  }
0x1b7: {  	v24 =	vand.u32 $0xFF8, v47;
	[tilespmem:s17+$0x3150] =	vst v26;
	v25 =	vld.idx.msk [tilespmem:v43+s3+$0x0], $0xffff;
	v48 =	vadd.s32 $0x18, v9  }
0x1b8: {  	v24 =	vor.u32 v13, v24;
	v27 =	vld.idx.msk [tilespmem:v44+s3+$0x0], $0xffff;
	v26 =	vand.u32 $0xFF8, v48  }
0x1b9: {  	v26 =	vor.u32 v14, v26;
	v49 =	vadd.s32 $0x18, v12;
	[tilespmem:s18+$0x3150] =	vst v28  }
0x1ba: {  	v50 =	vadd.s32 $0x18, v15;
	v28 =	vand.u32 $0xFF8, v49;
	v29 =	vld.idx.msk [tilespmem:v45+s3+$0x0], $0xffff;
	[tilespmem:s20+$0x3150] =	vst v30  }
0x1bb: {  	[tilespmem:s13+$0x4350] =	vst v22;
	v28 =	vor.u32 v16, v28;
	v30 =	vand.u32 $0xFF8, v50;
	v31 =	vld.idx.msk [tilespmem:v46+s3+$0x0], $0xffff  }
0x1bc: {  	[tilespmem:s16+$0x3350] =	vst v25;
	v51 =	vor.u32 v17, v30  }
0x1bd: {  	v56 =	vadd.s32 $0x1A, v5;
	[tilespmem:s17+$0x3350] =	vst v27;
	v24 =	vld.idx.msk [tilespmem:v24+s3+$0x0], $0xffff  }
0x1be: {  	[tilespmem:s15+$0x5150] =	vst v20;
	v52 =	vadd.s32 $0x19, v7;
	v26 =	vld.idx.msk [tilespmem:v26+s3+$0x0], $0xffff  }
0x1bf: {  	v53 =	vadd.s32 $0x19, v9;
	[tilespmem:s18+$0x3350] =	vst v29  }
0x1c0: {  	v28 =	vld.idx.msk [tilespmem:v28+s3+$0x0], $0xffff;
	[tilespmem:s20+$0x3350] =	vst v31  }
0x1c1: {  	[tilespmem:s14+$0x3750] =	vst v19;
	v54 =	vadd.s32 $0x19, v12;
	v22 =	vld.idx.msk [tilespmem:v51+s3+$0x0], $0xffff  }
0x1c2: {  	[tilespmem:s16+$0x3550] =	vst v24;
	v24 =	vld.idx.msk [tilespmem:v56+s3+$0x0], $0xffff;
	v55 =	vadd.s32 $0x19, v15  }
0x1c3: {  	v62 =	vadd.s32 $0x1B, v5;
	v25 =	vld.idx.msk [tilespmem:v52+s3+$0x0], $0xffff;
	[tilespmem:s17+$0x3550] =	vst v26  }
0x1c4: {  	[tilespmem:s19+$0x5F50] =	vst v21;
	v27 =	vld.idx.msk [tilespmem:v53+s3+$0x0], $0xffff;
	v57 =	vadd.s32 $0x1A, v7  }
0x1c5: {  	v58 =	vadd.s32 $0x1A, v9;
	[tilespmem:s18+$0x3550] =	vst v28  }
0x1c6: {  	v20 =	vld.idx.msk [tilespmem:v54+s3+$0x0], $0xffff;
	[tilespmem:s20+$0x3550] =	vst v22  }
0x1c7: {  	v59 =	vadd.s32 $0x1A, v12;
	[tilespmem:s14+$0x3950] =	vst v24;
	v21 =	vld.idx.msk [tilespmem:v55+s3+$0x0], $0xffff  }
0x1c8: {  	[tilespmem:s16+$0x3750] =	vst v25;
	v36 =	vld.idx.msk [tilespmem:v62+s3+$0x0], $0xffff;
	v60 =	vadd.s32 $0x1A, v15  }
0x1c9: {  	[tilespmem:s17+$0x3750] =	vst v27;
	v26 =	vld.idx.msk [tilespmem:v57+s3+$0x0], $0xffff;
	v37 =	vadd.s32 $0x1C, v5  }
0x1ca: {  	v63 =	vadd.s32 $0x1B, v7;
	v28 =	vld.idx.msk [tilespmem:v58+s3+$0x0], $0xffff  }
0x1cb: {  	v32 =	vadd.s32 $0x1B, v9;
	v18 =	vld.idx.msk [tilespmem:v18+s3+$0x0], $0xffff;
	[tilespmem:s18+$0x3750] =	vst v20  }
0x1cc: {  	v19 =	vld.idx.msk [tilespmem:v59+s3+$0x0], $0xffff;
	[tilespmem:s20+$0x3750] =	vst v21  }
0x1cd: {  	[tilespmem:s14+$0x3B50] =	vst v36;
	v34 =	vadd.s32 $0x1B, v12;
	v22 =	vld.idx.msk [tilespmem:v60+s3+$0x0], $0xffff  }
0x1ce: {  	v35 =	vadd.s32 $0x1B, v15;
	[tilespmem:s16+$0x3950] =	vst v26;
	v25 =	vld.idx.msk [tilespmem:v37+s3+$0x0], $0xffff  }
0x1cf: {  	v44 =	vadd.s32 $0x1D, v5;
	v26 =	vld.idx.msk [tilespmem:v63+s3+$0x0], $0xffff;
	[tilespmem:s17+$0x3950] =	vst v28  }
0x1d0: {  	[tilespmem:s15+$0x5350] =	vst v18;
	v33 =	vadd.s32 $0x28, v6;
	v38 =	vadd.s32 $0x1C, v7;
	v20 =	vld.idx.msk [tilespmem:v32+s3+$0x0], $0xffff  }
0x1d1: {  	v23 =	vld.idx.msk [tilespmem:v23+s3+$0x0], $0xffff;
	v39 =	vadd.s32 $0x1C, v9;
	[tilespmem:s18+$0x3950] =	vst v19;
	v21 =	vand.u32 $0xFF8, v33  }
0x1d2: {  	v18 =	vld.idx.msk [tilespmem:v34+s3+$0x0], $0xffff;
	v11 =	vor.u32 v11, v21;
	[tilespmem:s20+$0x3950] =	vst v22  }
0x1d3: {  	v40 =	vadd.s32 $0x1C, v12;
	[tilespmem:s14+$0x3D50] =	vst v25;
	v41 =	vld.idx.msk [tilespmem:v35+s3+$0x0], $0xffff  }
0x1d4: {  	[tilespmem:s16+$0x3B50] =	vst v26;
	v26 =	vld.idx.msk [tilespmem:v44+s3+$0x0], $0xffff;
	v42 =	vadd.s32 $0x1C, v15  }
0x1d5: {  	v61 =	vadd.s32 $0x21, v4;
	v27 =	vld.idx.msk [tilespmem:v38+s3+$0x0], $0xffff;
	[tilespmem:s17+$0x3B50] =	vst v20  }
0x1d6: {  	[tilespmem:s13+$0x4550] =	vst v23;
	v51 =	vadd.s32 $0x1E, v5;
	v19 =	vld.idx.msk [tilespmem:v39+s3+$0x0], $0xffff  }
0x1d7: {  	v45 =	vadd.s32 $0x1D, v7;
	[tilespmem:s18+$0x3B50] =	vst v18;
	v11 =	vld.idx.msk [tilespmem:v11+s3+$0x0], $0xffff  }
0x1d8: {  	v46 =	vadd.s32 $0x1D, v9;
	v22 =	vld.idx.msk [tilespmem:v40+s3+$0x0], $0xffff;
	[tilespmem:s20+$0x3B50] =	vst v41  }
0x1d9: {  	v47 =	vadd.s32 $0x1D, v12;
	[tilespmem:s14+$0x3F50] =	vst v26;
	v21 =	vld.idx.msk [tilespmem:v42+s3+$0x0], $0xffff  }
0x1da: {  	v23 =	vld.idx.msk [tilespmem:v61+s3+$0x0], $0xffff;
	v49 =	vadd.s32 $0x1D, v15;
	[tilespmem:s16+$0x3D50] =	vst v27  }
0x1db: {  	v43 =	vadd.s32 $0x22, v4;
	v27 =	vld.idx.msk [tilespmem:v51+s3+$0x0], $0xffff;
	[tilespmem:s17+$0x3D50] =	vst v19  }
0x1dc: {  	v59 =	vadd.s32 $0x1F, v5;
	v20 =	vld.idx.msk [tilespmem:v45+s3+$0x0], $0xffff;
	[tilespmem:s15+$0x5550] =	vst v11  }
0x1dd: {  	v52 =	vadd.s32 $0x1E, v7;
	v18 =	vld.idx.msk [tilespmem:v46+s3+$0x0], $0xffff;
	[tilespmem:s18+$0x3D50] =	vst v22  }
0x1de: {  	v53 =	vadd.s32 $0x1E, v9;
	v11 =	vld.idx.msk [tilespmem:v47+s3+$0x0], $0xffff;
	[tilespmem:s20+$0x3D50] =	vst v21  }
0x1df: {  	[tilespmem:s13+$0x4750] =	vst v23;
	v54 =	vadd.s32 $0x1E, v12;
	v55 =	vld.idx.msk [tilespmem:v49+s3+$0x0], $0xffff  }
0x1e0: {  	v57 =	vadd.s32 $0x1E, v15;
	v48 =	vld.idx.msk [tilespmem:v43+s3+$0x0], $0xffff;
	[tilespmem:s14+$0x4150] =	vst v27;
	v33 =	vadd.s32 $0x20, v5  }
0x1e1: {  	v58 =	vadd.s32 $0x23, v4;
	v26 =	vand.u32 $0xFF8, v33;
	[tilespmem:s16+$0x3F50] =	vst v20;
	v20 =	vld.idx.msk [tilespmem:v59+s3+$0x0], $0xffff  }
0x1e2: {  	v26 =	vor.u32 v10, v26;
	v19 =	vld.idx.msk [tilespmem:v52+s3+$0x0], $0xffff;
	[tilespmem:s17+$0x3F50] =	vst v18  }
0x1e3: {  	v60 =	vadd.s32 $0x1F, v7;
	v22 =	vld.idx.msk [tilespmem:v53+s3+$0x0], $0xffff;
	[tilespmem:s18+$0x3F50] =	vst v11  }
0x1e4: {  	v61 =	vadd.s32 $0x1F, v9;
	v21 =	vld.idx.msk [tilespmem:v54+s3+$0x0], $0xffff;
	[tilespmem:s20+$0x3F50] =	vst v55  }
0x1e5: {  	v62 =	vadd.s32 $0x1F, v12;
	[tilespmem:s13+$0x4950] =	vst v48;
	v63 =	vld.idx.msk [tilespmem:v57+s3+$0x0], $0xffff  }
0x1e6: {  	v32 =	vld.idx.msk [tilespmem:v58+s3+$0x0], $0xffff;
	v34 =	vadd.s32 $0x1F, v15;
	[tilespmem:s14+$0x4350] =	vst v20  }
0x1e7: {  	v36 =	vadd.s32 $0x20, v7;
	v50 =	vadd.s32 $0x29, v6;
	[tilespmem:s16+$0x4150] =	vst v19;
	v26 =	vld.idx.msk [tilespmem:v26+s3+$0x0], $0xffff  }
0x1e8: {  	v37 =	vadd.s32 $0x20, v9;
	v43 =	vadd.s32 $0x24, v4;
	v19 =	vand.u32 $0xFF8, v36;
	v18 =	vld.idx.msk [tilespmem:v60+s3+$0x0], $0xffff;
	[tilespmem:s17+$0x4150] =	vst v22  }
0x1e9: {  	v38 =	vadd.s32 $0x20, v12;
	v19 =	vor.u32 v13, v19;
	v22 =	vand.u32 $0xFF8, v37;
	v11 =	vld.idx.msk [tilespmem:v61+s3+$0x0], $0xffff;
	[tilespmem:s18+$0x4150] =	vst v21  }
0x1ea: {  	v39 =	vadd.s32 $0x20, v15;
	v22 =	vor.u32 v14, v22;
	v21 =	vand.u32 $0xFF8, v38;
	v23 =	vld.idx.msk [tilespmem:v62+s3+$0x0], $0xffff;
	[tilespmem:s20+$0x4150] =	vst v63  }
0x1eb: {  	[tilespmem:s13+$0x4B50] =	vst v32;
	v24 =	vand.u32 $0xFF8, v39;
	v21 =	vor.u32 v16, v21;
	v40 =	vld.idx.msk [tilespmem:v34+s3+$0x0], $0xffff  }
0x1ec: {  	v56 =	vld.idx.msk [tilespmem:v50+s3+$0x0], $0xffff;
	v42 =	vor.u32 v17, v24;
	[tilespmem:s14+$0x4550] =	vst v26  }
0x1ed: {  	v44 =	vadd.s32 $0x21, v5;
	v24 =	vld.idx.msk [tilespmem:v43+s3+$0x0], $0xffff;
	[tilespmem:s16+$0x4350] =	vst v18  }
0x1ee: {  	v35 =	vadd.s32 $0x2A, v6;
	v19 =	vld.idx.msk [tilespmem:v19+s3+$0x0], $0xffff;
	[tilespmem:s17+$0x4350] =	vst v11  }
0x1ef: {  	v45 =	vadd.s32 $0x21, v7;
	v22 =	vld.idx.msk [tilespmem:v22+s3+$0x0], $0xffff;
	[tilespmem:s18+$0x4350] =	vst v23  }
0x1f0: {  	v46 =	vadd.s32 $0x21, v9;
	v21 =	vld.idx.msk [tilespmem:v21+s3+$0x0], $0xffff;
	[tilespmem:s20+$0x4350] =	vst v40  }
0x1f1: {  	v47 =	vadd.s32 $0x21, v12;
	[tilespmem:s15+$0x5750] =	vst v56;
	v20 =	vld.idx.msk [tilespmem:v42+s3+$0x0], $0xffff  }
0x1f2: {  	v48 =	vadd.s32 $0x21, v15;
	v18 =	vld.idx.msk [tilespmem:v44+s3+$0x0], $0xffff;
	[tilespmem:s13+$0x4D50] =	vst v24  }
0x1f3: {  	v50 =	vadd.s32 $0x22, v5;
	v41 =	vld.idx.msk [tilespmem:v35+s3+$0x0], $0xffff;
	[tilespmem:s16+$0x4550] =	vst v19  }
0x1f4: {  	v49 =	vadd.s32 $0x2B, v6;
	v11 =	vld.idx.msk [tilespmem:v45+s3+$0x0], $0xffff;
	[tilespmem:s17+$0x4550] =	vst v22  }
0x1f5: {  	v51 =	vadd.s32 $0x22, v7;
	v23 =	vld.idx.msk [tilespmem:v46+s3+$0x0], $0xffff;
	[tilespmem:s18+$0x4550] =	vst v21  }
0x1f6: {  	v52 =	vadd.s32 $0x22, v9;
	v25 =	vld.idx.msk [tilespmem:v47+s3+$0x0], $0xffff;
	[tilespmem:s20+$0x4550] =	vst v20  }
0x1f7: {  	v53 =	vadd.s32 $0x22, v12;
	[tilespmem:s14+$0x4750] =	vst v18;
	v54 =	vld.idx.msk [tilespmem:v48+s3+$0x0], $0xffff  }
0x1f8: {  	v56 =	vadd.s32 $0x22, v15;
	v19 =	vld.idx.msk [tilespmem:v50+s3+$0x0], $0xffff;
	[tilespmem:s15+$0x5950] =	vst v41  }
0x1f9: {  	v58 =	vadd.s32 $0x23, v5;
	v55 =	vld.idx.msk [tilespmem:v49+s3+$0x0], $0xffff;
	[tilespmem:s16+$0x4750] =	vst v11  }
0x1fa: {  	v57 =	vadd.s32 $0x25, v4;
	v22 =	vld.idx.msk [tilespmem:v51+s3+$0x0], $0xffff;
	[tilespmem:s17+$0x4750] =	vst v23  }
0x1fb: {  	v59 =	vadd.s32 $0x23, v7;
	v21 =	vld.idx.msk [tilespmem:v52+s3+$0x0], $0xffff;
	[tilespmem:s18+$0x4750] =	vst v25  }
0x1fc: {  	v60 =	vadd.s32 $0x23, v9;
	v20 =	vld.idx.msk [tilespmem:v53+s3+$0x0], $0xffff;
	[tilespmem:s20+$0x4750] =	vst v54  }
0x1fd: {  	v61 =	vadd.s32 $0x23, v12;
	[tilespmem:s14+$0x4950] =	vst v19;
	v18 =	vld.idx.msk [tilespmem:v56+s3+$0x0], $0xffff  }
0x1fe: {  	v11 =	vld.idx.msk [tilespmem:v58+s3+$0x0], $0xffff;
	[tilespmem:s15+$0x5B50] =	vst v55;
	v63 =	vadd.s32 $0x23, v15  }
0x1ff: {  	v30 =	vadd.s32 $0x2C, v6;
	v62 =	vld.idx.msk [tilespmem:v57+s3+$0x0], $0xffff;
	[tilespmem:s16+$0x4950] =	vst v22  }
0x200: {  	v31 =	vadd.s32 $0x24, v5;
	v23 =	vld.idx.msk [tilespmem:v59+s3+$0x0], $0xffff;
	[tilespmem:s17+$0x4950] =	vst v21  }
0x201: {  	v32 =	vadd.s32 $0x24, v7;
	v25 =	vld.idx.msk [tilespmem:v60+s3+$0x0], $0xffff;
	[tilespmem:s18+$0x4950] =	vst v20  }
0x202: {  	v33 =	vadd.s32 $0x24, v9;
	v24 =	vld.idx.msk [tilespmem:v61+s3+$0x0], $0xffff;
	[tilespmem:s20+$0x4950] =	vst v18  }
0x203: {  	v34 =	vadd.s32 $0x24, v12;
	[tilespmem:s14+$0x4B50] =	vst v11;
	v19 =	vld.idx.msk [tilespmem:v63+s3+$0x0], $0xffff  }
0x204: {  	v36 =	vadd.s32 $0x24, v15;
	v35 =	vld.idx.msk [tilespmem:v30+s3+$0x0], $0xffff;
	[tilespmem:s13+$0x4F50] =	vst v62  }
0x205: {  	v44 =	vadd.s32 $0x2D, v6;
	v22 =	vld.idx.msk [tilespmem:v31+s3+$0x0], $0xffff;
	[tilespmem:s16+$0x4B50] =	vst v23  }
0x206: {  	v38 =	vadd.s32 $0x25, v5;
	v21 =	vld.idx.msk [tilespmem:v32+s3+$0x0], $0xffff;
	[tilespmem:s17+$0x4B50] =	vst v25  }
0x207: {  	v39 =	vadd.s32 $0x25, v7;
	v20 =	vld.idx.msk [tilespmem:v33+s3+$0x0], $0xffff;
	[tilespmem:s18+$0x4B50] =	vst v24  }
0x208: {  	v40 =	vadd.s32 $0x25, v9;
	v18 =	vld.idx.msk [tilespmem:v34+s3+$0x0], $0xffff;
	[tilespmem:s20+$0x4B50] =	vst v19  }
0x209: {  	v41 =	vadd.s32 $0x25, v12;
	[tilespmem:s15+$0x5D50] =	vst v35;
	v11 =	vld.idx.msk [tilespmem:v36+s3+$0x0], $0xffff  }
0x20a: {  	v43 =	vadd.s32 $0x25, v15;
	v6 =	vld.idx.msk [tilespmem:v44+s3+$0x0], $0xffff;
	[tilespmem:s14+$0x4D50] =	vst v22  }
0x20b: {  	v37 =	vadd.s32 $0x26, v4;
	v23 =	vld.idx.msk [tilespmem:v38+s3+$0x0], $0xffff;
	[tilespmem:s16+$0x4D50] =	vst v21  }
0x20c: {  	v45 =	vadd.s32 $0x26, v5;
	v25 =	vld.idx.msk [tilespmem:v39+s3+$0x0], $0xffff;
	[tilespmem:s17+$0x4D50] =	vst v20  }
0x20d: {  	v46 =	vadd.s32 $0x26, v7;
	v24 =	vld.idx.msk [tilespmem:v40+s3+$0x0], $0xffff;
	[tilespmem:s18+$0x4D50] =	vst v18  }
0x20e: {  	v47 =	vadd.s32 $0x26, v9;
	v19 =	vld.idx.msk [tilespmem:v41+s3+$0x0], $0xffff;
	[tilespmem:s20+$0x4D50] =	vst v11  }
0x20f: {  	[tilespmem:s15+$0x5F50] =	vst v6;
	v48 =	vadd.s32 $0x26, v12;
	v22 =	vld.idx.msk [tilespmem:v43+s3+$0x0], $0xffff  }
0x210: {  	v49 =	vadd.s32 $0x26, v15;
	v42 =	vld.idx.msk [tilespmem:v37+s3+$0x0], $0xffff;
	[tilespmem:s14+$0x4F50] =	vst v23  }
0x211: {  	v50 =	vadd.s32 $0x27, v4;
	v21 =	vld.idx.msk [tilespmem:v45+s3+$0x0], $0xffff;
	[tilespmem:s16+$0x4F50] =	vst v25  }
0x212: {  	v51 =	vadd.s32 $0x27, v5;
	v20 =	vld.idx.msk [tilespmem:v46+s3+$0x0], $0xffff;
	[tilespmem:s17+$0x4F50] =	vst v24  }
0x213: {  	v52 =	vadd.s32 $0x27, v7;
	v18 =	vld.idx.msk [tilespmem:v47+s3+$0x0], $0xffff;
	[tilespmem:s18+$0x4F50] =	vst v19  }
0x214: {  	v53 =	vadd.s32 $0x27, v9;
	v11 =	vld.idx.msk [tilespmem:v48+s3+$0x0], $0xffff;
	[tilespmem:s20+$0x4F50] =	vst v22  }
0x215: {  	v55 =	vadd.s32 $0x27, v12;
	[tilespmem:s13+$0x5150] =	vst v42;
	v54 =	vadd.s32 $0x28, v4;
	v23 =	vld.idx.msk [tilespmem:v49+s3+$0x0], $0xffff  }
0x216: {  	v57 =	vadd.s32 $0x27, v15;
	v26 =	vld.idx.msk [tilespmem:v50+s3+$0x0], $0xffff;
	v56 =	vadd.s32 $0x28, v5;
	[tilespmem:s14+$0x5150] =	vst v21;
	v22 =	vand.u32 $0xFF8, v54  }
0x217: {  	v59 =	vadd.s32 $0x28, v7;
	v21 =	vand.u32 $0xFF8, v56;
	v58 =	vld.idx.msk [tilespmem:v51+s3+$0x0], $0xffff;
	[tilespmem:s16+$0x5150] =	vst v20;
	v8 =	vor.u32 v8, v22  }
0x218: {  	v62 =	vadd.s32 $0x28, v9;
	v60 =	vor.u32 v10, v21;
	v20 =	vand.u32 $0xFF8, v59;
	v61 =	vld.idx.msk [tilespmem:v52+s3+$0x0], $0xffff;
	[tilespmem:s17+$0x5150] =	vst v18  }
0x219: {  	v63 =	vor.u32 v13, v20;
	v24 =	vadd.s32 $0x28, v12;
	v18 =	vand.u32 $0xFF8, v62;
	v19 =	vld.idx.msk [tilespmem:v53+s3+$0x0], $0xffff;
	[tilespmem:s18+$0x5150] =	vst v11  }
0x21a: {  	v28 =	vadd.s32 $0x28, v15;
	v25 =	vor.u32 v14, v18;
	v11 =	vand.u32 $0xFF8, v24;
	v6 =	vld.idx.msk [tilespmem:v55+s3+$0x0], $0xffff;
	[tilespmem:s20+$0x5150] =	vst v23  }
0x21b: {  	[tilespmem:s13+$0x5350] =	vst v26;
	v18 =	vand.u32 $0xFF8, v28;
	v11 =	vor.u32 v16, v11;
	v29 =	vld.idx.msk [tilespmem:v57+s3+$0x0], $0xffff  }
0x21c: {  	[tilespmem:s14+$0x5350] =	vst v58;
	v17 =	vor.u32 v17, v18;
	v8 =	vld.idx.msk [tilespmem:v8+s3+$0x0], $0xffff  }
0x21d: {  	v30 =	vadd.s32 $0x29, v4;
	v10 =	vld.idx.msk [tilespmem:v60+s3+$0x0], $0xffff;
	[tilespmem:s16+$0x5350] =	vst v61  }
0x21e: {  	v31 =	vadd.s32 $0x29, v5;
	v13 =	vld.idx.msk [tilespmem:v63+s3+$0x0], $0xffff;
	[tilespmem:s17+$0x5350] =	vst v19  }
0x21f: {  	v32 =	vadd.s32 $0x29, v7;
	v14 =	vld.idx.msk [tilespmem:v25+s3+$0x0], $0xffff;
	[tilespmem:s18+$0x5350] =	vst v6  }
0x220: {  	v33 =	vadd.s32 $0x29, v9;
	v11 =	vld.idx.msk [tilespmem:v11+s3+$0x0], $0xffff;
	[tilespmem:s20+$0x5350] =	vst v29  }
0x221: {  	v34 =	vadd.s32 $0x29, v12;
	[tilespmem:s13+$0x5550] =	vst v8;
	v16 =	vld.idx.msk [tilespmem:v17+s3+$0x0], $0xffff  }
0x222: {  	v36 =	vadd.s32 $0x29, v15;
	[tilespmem:s14+$0x5550] =	vst v10;
	v35 =	vld.idx.msk [tilespmem:v30+s3+$0x0], $0xffff  }
0x223: {  	v37 =	vadd.s32 $0x2A, v4;
	v20 =	vld.idx.msk [tilespmem:v31+s3+$0x0], $0xffff;
	[tilespmem:s16+$0x5550] =	vst v13  }
0x224: {  	v38 =	vadd.s32 $0x2A, v5;
	v19 =	vld.idx.msk [tilespmem:v32+s3+$0x0], $0xffff;
	[tilespmem:s17+$0x5550] =	vst v14  }
0x225: {  	v39 =	vadd.s32 $0x2A, v7;
	v6 =	vld.idx.msk [tilespmem:v33+s3+$0x0], $0xffff;
	[tilespmem:s18+$0x5550] =	vst v11  }
0x226: {  	v40 =	vadd.s32 $0x2A, v9;
	v8 =	vld.idx.msk [tilespmem:v34+s3+$0x0], $0xffff;
	[tilespmem:s20+$0x5550] =	vst v16  }
0x227: {  	v41 =	vadd.s32 $0x2A, v12;
	[tilespmem:s13+$0x5750] =	vst v35;
	v10 =	vld.idx.msk [tilespmem:v36+s3+$0x0], $0xffff  }
0x228: {  	v42 =	vadd.s32 $0x2A, v15;
	[tilespmem:s14+$0x5750] =	vst v20;
	v17 =	vld.idx.msk [tilespmem:v37+s3+$0x0], $0xffff  }
0x229: {  	v43 =	vadd.s32 $0x2B, v4;
	v13 =	vld.idx.msk [tilespmem:v38+s3+$0x0], $0xffff;
	[tilespmem:s16+$0x5750] =	vst v19  }
0x22a: {  	v44 =	vadd.s32 $0x2B, v5;
	v14 =	vld.idx.msk [tilespmem:v39+s3+$0x0], $0xffff;
	[tilespmem:s17+$0x5750] =	vst v6  }
0x22b: {  	v45 =	vadd.s32 $0x2B, v7;
	v11 =	vld.idx.msk [tilespmem:v40+s3+$0x0], $0xffff;
	[tilespmem:s18+$0x5750] =	vst v8  }
0x22c: {  	v46 =	vadd.s32 $0x2B, v9;
	v16 =	vld.idx.msk [tilespmem:v41+s3+$0x0], $0xffff;
	[tilespmem:s20+$0x5750] =	vst v10  }
0x22d: {  	v47 =	vadd.s32 $0x2B, v12;
	[tilespmem:s13+$0x5950] =	vst v17;
	v48 =	vld.idx.msk [tilespmem:v42+s3+$0x0], $0xffff  }
0x22e: {  	v50 =	vadd.s32 $0x2B, v15;
	[tilespmem:s14+$0x5950] =	vst v13;
	v49 =	vld.idx.msk [tilespmem:v43+s3+$0x0], $0xffff  }
0x22f: {  	v51 =	vadd.s32 $0x2C, v4;
	v19 =	vld.idx.msk [tilespmem:v44+s3+$0x0], $0xffff;
	[tilespmem:s16+$0x5950] =	vst v14  }
0x230: {  	v52 =	vadd.s32 $0x2C, v5;
	v6 =	vld.idx.msk [tilespmem:v45+s3+$0x0], $0xffff;
	[tilespmem:s17+$0x5950] =	vst v11  }
0x231: {  	v53 =	vadd.s32 $0x2C, v7;
	v8 =	vld.idx.msk [tilespmem:v46+s3+$0x0], $0xffff;
	[tilespmem:s18+$0x5950] =	vst v16  }
0x232: {  	v54 =	vadd.s32 $0x2C, v9;
	v10 =	vld.idx.msk [tilespmem:v47+s3+$0x0], $0xffff;
	[tilespmem:s20+$0x5950] =	vst v48  }
0x233: {  	v55 =	vadd.s32 $0x2C, v12;
	[tilespmem:s13+$0x5B50] =	vst v49;
	v13 =	vld.idx.msk [tilespmem:v50+s3+$0x0], $0xffff  }
0x234: {  	v56 =	vadd.s32 $0x2C, v15;
	[tilespmem:s14+$0x5B50] =	vst v19;
	v18 =	vld.idx.msk [tilespmem:v51+s3+$0x0], $0xffff  }
0x235: {  	v4 =	vadd.s32 $0x2D, v4;
	v14 =	vld.idx.msk [tilespmem:v52+s3+$0x0], $0xffff;
	[tilespmem:s16+$0x5B50] =	vst v6  }
0x236: {  	v5 =	vadd.s32 $0x2D, v5;
	v6 =	vld.idx.msk [tilespmem:v53+s3+$0x0], $0xffff;
	[tilespmem:s17+$0x5B50] =	vst v8  }
0x237: {  	v57 =	vadd.s32 $0x2D, v7;
	v8 =	vld.idx.msk [tilespmem:v54+s3+$0x0], $0xffff;
	[tilespmem:s18+$0x5B50] =	vst v10  }
0x238: {  	v58 =	vadd.s32 $0x2D, v9;
	v10 =	vld.idx.msk [tilespmem:v55+s3+$0x0], $0xffff;
	[tilespmem:s20+$0x5B50] =	vst v13  }
0x239: {  	v59 =	vadd.s32 $0x2D, v12;
	[tilespmem:s13+$0x5D50] =	vst v18;
	v60 =	vld.idx.msk [tilespmem:v56+s3+$0x0], $0xffff  }
0x23a: {  	v61 =	vadd.s32 $0x2D, v15;
	[tilespmem:s14+$0x5D50] =	vst v14;
	v4 =	vld.idx.msk [tilespmem:v4+s3+$0x0], $0xffff  }
0x23b: {  	v5 =	vld.idx.msk [tilespmem:v5+s3+$0x0], $0xffff;
	[tilespmem:s16+$0x5D50] =	vst v6  }
0x23c: {  	v6 =	vld.idx.msk [tilespmem:v57+s3+$0x0], $0xffff;
	[tilespmem:s17+$0x5D50] =	vst v8  }
0x23d: {  	v62 =	vld.idx.msk [tilespmem:v58+s3+$0x0], $0xffff;
	[tilespmem:s18+$0x5D50] =	vst v10  }
0x23e: {  	v63 =	vld.idx.msk [tilespmem:v59+s3+$0x0], $0xffff;
	[tilespmem:s20+$0x5D50] =	vst v60  }
0x23f: {  	[tilespmem:s13+$0x5F50] =	vst v4;
	v4 =	vld.idx.msk [tilespmem:v61+s3+$0x0], $0xffff  }
0x240: {  	[tilespmem:s14+$0x5F50] =	vst v5  }
0x241: {  	[tilespmem:s16+$0x5F50] =	vst v6  }
0x242: {  	s12 =	sadd.s32 $0x1, s12;
	[tilespmem:s17+$0x5F50] =	vst v62  }
0x243: {  	p0 =	sne.s32 s12, s6;
	[tilespmem:s18+$0x5F50] =	vst v63  }
.Ltmp1:
0x244: {  	[tilespmem:s20+$0x5F50] =	vst v4;
	(pc) =	sbr.rel @p0 .LBB2_1-.Ltmp1, $4  }
0x245: {  	[hbm4b:s5+s9] =	stream.strided.scatter [tilespmem:s11], [sflag:$0x1], $0x5C00, s10, s9, $0x38;
	[tilespmem:$0x6150] =	vst v63  }
0x246: {  	_ =	swait.ge [sflag:s7], $0x5C00  }
0x247: {  	[sflag:s7] =	ssyncset.done $0x0  }
0x248: {  	[sflag:s7] =	ssyncadd.s32 $0xFFFFA400  }
0x249: {  	_ =	sfence.sel $0x180000  }
0x24a: {  	[bflag:$0x0] =	sbarrier.arrive $0xFFFF  }
0x24b: {  	p0 =	sne.s32 s2, $0x0;
	_ =	strace $0x90000047  }
0x24c: {  	s0 =	sadd.s32 @!p0 $0x100000, s0;
	[bflag:$0x2] =	sbarrier.arrive $0xFFFF  }
0x24d: {  	[sflag:s0] =	ssyncadd.tile.s32 @!p0 $0x1;
	_ =	shalt  }
.Lfunc_end2:
_tile_overlayer_lowered:
.L_overlay_start_2:
0x24e: {  	(tag) =	ssettag $0x2  }
0x24f: {  	s0 =	rddreg [dreg:$0x0];
	s2 =	stileid.u32  }
0x250: {  	s1 =	rddreg [dreg:$0x1];
	p0 =	sne.s32 s2, $0x0  }
0x251: {  	s3 =	rddreg [dreg:$0x2];
	[bflag:$0x3] =	sbarrier.arrive $0xFFFF;
	s2 =	simm.s32 @!p0 $0x1C01  }
0x252: {  	[timem:s3], [sflag:s2] =	dma.local @!p0 [hbm:s0], s1  }
0x253: {  	s0 =	simm.s32 @!p0 $0x1  }
0x254: {  	_ =	swait.ge @!p0 [sflag:s0], s1  }
0x255: {  	s1 =	ssub.s32 @!p0 $0x0, s1;
	[sflag:s0] =	ssyncset.done @!p0 $0x0  }
0x256: {  	[sflag:s0] =	ssyncadd.s32 @!p0 s1  }
0x257: {  	[bflag:$0x3] =	sbarrier.arrive $0xFFFF  }
0x258: {  	_ =	shalt  }

</sc_bundles>
